<compile_context>
chip_gen: v7x
topology: tpu7x:2x2x1
jax: 0.10.2.dev20260603
libtpu: 0.0.44.dev20260713+nightly
codegen_flags: <defaults>
</compile_context>

<pallas_src>
import functools

import jax
import jax.numpy as jnp
from jax import lax
from jax.experimental import pallas as pl
from jax.experimental.pallas import tpu as pltpu
from jax.experimental.pallas import tpu_sc as plsc

NUM_WORKERS = 32
CHUNK = 64
D = 128
NBUF = 10


def _sc_gather(weight, idx3):
    n_chunks = idx3.shape[1]
    rows_per_worker = n_chunks * CHUNK
    total_rows = NUM_WORKERS * rows_per_worker
    n_groups = n_chunks // NBUF
    assert n_chunks % NBUF == 0 and n_groups >= 2
    mesh = plsc.VectorSubcoreMesh(core_axis_name="c", subcore_axis_name="s")

    @functools.partial(
        pl.kernel,
        mesh=mesh,
        out_type=jax.ShapeDtypeStruct((total_rows, D), jnp.float32),
        scratch_types=(
            [pltpu.VMEM((n_chunks, CHUNK), jnp.int32)]
            + [pltpu.VMEM((CHUNK, D), jnp.float32) for _ in range(NBUF)]
            + [pltpu.SemaphoreType.DMA for _ in range(2 * NBUF)]
        ),
    )
    def k(table_hbm, idx_hbm, out_hbm, idx_v, *rest):
        bufs = rest[:NBUF]
        gsem = rest[NBUF:2 * NBUF]
        psem = rest[2 * NBUF:]
        wid = lax.axis_index("s") * 2 + lax.axis_index("c")
        base = wid * rows_per_worker
        pltpu.sync_copy(idx_hbm.at[wid], idx_v)

        def gather_start(c, b):
            pltpu.async_copy(table_hbm.at[idx_v.at[c]], bufs[b], gsem[b])

        def gather_wait(c, b):
            pltpu.make_async_copy(table_hbm.at[idx_v.at[c]], bufs[b], gsem[b]).wait()

        def put_start(c, b):
            pltpu.async_copy(bufs[b], out_hbm.at[pl.ds(base + c * CHUNK, CHUNK)], psem[b])

        def put_wait(c, b):
            pltpu.make_async_copy(bufs[b], out_hbm.at[pl.ds(base + c * CHUNK, CHUNK)], psem[b]).wait()

        for b in range(NBUF):
            gather_start(b, b)

        def body(g, carry):
            c0 = g * NBUF
            for b in range(NBUF):
                gather_wait(c0 + b, b)
                put_start(c0 + b, b)
            for b in range(NBUF):
                put_wait(c0 + b, b)
                gather_start(c0 + b + NBUF, b)
            return carry

        lax.fori_loop(0, n_groups - 1, body, 0)

        c0 = (n_groups - 1) * NBUF
        for b in range(NBUF):
            gather_wait(c0 + b, b)
            put_start(c0 + b, b)
        for b in range(NBUF):
            put_wait(c0 + b, b)

    return k(weight, idx3)


def kernel(input, weight):
    b, s = input.shape
    idx3 = input.T.astype(jnp.int32).reshape(NUM_WORKERS, (b * s) // (NUM_WORKERS * CHUNK), CHUNK)
    out = _sc_gather(weight, idx3)
    return out.reshape(s, b, D).transpose(1, 0, 2)

# --- scband reference (transcript-rebuilt; emitter-appended) ---
"""Pipeline reference for scband-dropout-embedding-36558761624536 (READ-ONLY COPY).

The authoritative reference and input builder live on the scoring server;
editing this copy changes nothing except your own understanding.
"""

import jax, jax.numpy as jnp
import numpy as np

NUM_EMBEDDINGS = 100000
EMBEDDING_DIM = 128
PADDING_IDX = 0


def setup_inputs(seed: int = 0) -> dict:
    key = jax.random.key(seed)
    k_idx, k_w = jax.random.split(key)
    indices = jax.random.randint(k_idx, (4096, 50), 0, NUM_EMBEDDINGS, dtype=jnp.int64 if jax.config.read('jax_enable_x64') else jnp.int32)
    weight = jax.random.normal(k_w, (NUM_EMBEDDINGS, EMBEDDING_DIM), dtype=jnp.float32)
    # nn.Embedding zeros the padding_idx row at init
    weight = weight.at[PADDING_IDX].set(0.0)
    return {"input": indices, "weight": weight}


def reference(input, weight):
    # Eval-mode path of DropoutEmbedding: plain embedding gather.
    # (Training-mode row dropout is stochastic and omitted for determinism.)
    out = jnp.take(weight, input, axis=0)
    return out

if __name__ == "__main__":
    import jax
    _d = setup_inputs()
    print(jax.jit(kernel)(*tuple(_d.values())))

</pallas_src>

<mosaic_0001>
#map = affine_map<(d0, d1) -> (0, 0)>
#map1 = affine_map<(d0, d1) -> (0, 0, 0)>
module attributes {stable_mosaic.version = 14 : i64} {
  func.func @k(%arg0: i32, %arg1: i32, %arg2: memref<100000x128xf32, #tpu.memory_space<hbm>>, %arg3: memref<32x100x64xi32, #tpu.memory_space<hbm>>, %arg4: memref<204800x128xf32, #tpu.memory_space<hbm>>, %arg5: memref<100x64xi32, #tpu.memory_space<vmem>>, %arg6: memref<64x128xf32, #tpu.memory_space<vmem>>, %arg7: memref<64x128xf32, #tpu.memory_space<vmem>>, %arg8: memref<64x128xf32, #tpu.memory_space<vmem>>, %arg9: memref<64x128xf32, #tpu.memory_space<vmem>>, %arg10: memref<64x128xf32, #tpu.memory_space<vmem>>, %arg11: memref<64x128xf32, #tpu.memory_space<vmem>>, %arg12: memref<64x128xf32, #tpu.memory_space<vmem>>, %arg13: memref<64x128xf32, #tpu.memory_space<vmem>>, %arg14: memref<64x128xf32, #tpu.memory_space<vmem>>, %arg15: memref<64x128xf32, #tpu.memory_space<vmem>>, %arg16: memref<!tpu.dma_semaphore, #tpu.memory_space<semaphore_mem>>, %arg17: memref<!tpu.dma_semaphore, #tpu.memory_space<semaphore_mem>>, %arg18: memref<!tpu.dma_semaphore, #tpu.memory_space<semaphore_mem>>, %arg19: memref<!tpu.dma_semaphore, #tpu.memory_space<semaphore_mem>>, %arg20: memref<!tpu.dma_semaphore, #tpu.memory_space<semaphore_mem>>, %arg21: memref<!tpu.dma_semaphore, #tpu.memory_space<semaphore_mem>>, %arg22: memref<!tpu.dma_semaphore, #tpu.memory_space<semaphore_mem>>, %arg23: memref<!tpu.dma_semaphore, #tpu.memory_space<semaphore_mem>>, %arg24: memref<!tpu.dma_semaphore, #tpu.memory_space<semaphore_mem>>, %arg25: memref<!tpu.dma_semaphore, #tpu.memory_space<semaphore_mem>>, %arg26: memref<!tpu.dma_semaphore, #tpu.memory_space<semaphore_mem>>, %arg27: memref<!tpu.dma_semaphore, #tpu.memory_space<semaphore_mem>>, %arg28: memref<!tpu.dma_semaphore, #tpu.memory_space<semaphore_mem>>, %arg29: memref<!tpu.dma_semaphore, #tpu.memory_space<semaphore_mem>>, %arg30: memref<!tpu.dma_semaphore, #tpu.memory_space<semaphore_mem>>, %arg31: memref<!tpu.dma_semaphore, #tpu.memory_space<semaphore_mem>>, %arg32: memref<!tpu.dma_semaphore, #tpu.memory_space<semaphore_mem>>, %arg33: memref<!tpu.dma_semaphore, #tpu.memory_space<semaphore_mem>>, %arg34: memref<!tpu.dma_semaphore, #tpu.memory_space<semaphore_mem>>, %arg35: memref<!tpu.dma_semaphore, #tpu.memory_space<semaphore_mem>>) attributes {dimension_semantics = [#tpu.dimension_semantics<core_parallel>, #tpu.dimension_semantics<subcore_parallel>], iteration_bounds = array<i64: 2, 16>, scalar_prefetch = 0 : i64, scratch_operands = 31 : i64, tpu.core_type = #tpu.core_type<sc_vector_subcore>, window_params = [{transform_indices = #map}, {transform_indices = #map1}, {transform_indices = #map}]} {
    %mul3A = arith.constant 2 : i32
    %mul3A_0 = arith.muli %arg1, %mul3A : i32
    %add3A = arith.addi %mul3A_0, %arg0 : i32
    %mul3A_1 = arith.constant 6400 : i32
    %mul3A_2 = arith.muli %add3A, %mul3A_1 : i32
    "tpu.region"() ({
      %run_scoped3A = tpu.sem_alloc : memref<!tpu.dma_semaphore, #tpu.memory_space<semaphore_mem>>
      %dma_start3A_266 = arith.constant 0 : i32
      %dma_start3A_267 = arith.constant 0 : i32
      %dma_start3A_268 = tpu.memref_slice %arg3[%add3A, %dma_start3A_266, %dma_start3A_267] : memref<32x100x64xi32, #tpu.memory_space<hbm>> -> memref<1x100x64xi32, #tpu.memory_space<hbm>>
      %dma_start3A_269 = tpu.memref_squeeze %dma_start3A_268 : memref<1x100x64xi32, #tpu.memory_space<hbm>> -> memref<100x64xi32, #tpu.memory_space<hbm>>
      %dma_start3A_270 = arith.constant 0 : i32
      %dma_start3A_271 = arith.constant 0 : i32
      %dma_start3A_272 = tpu.memref_slice %arg3[%add3A, %dma_start3A_270, %dma_start3A_271] : memref<32x100x64xi32, #tpu.memory_space<hbm>> -> memref<1x100x64xi32, #tpu.memory_space<hbm>>
      %dma_start3A_273 = tpu.memref_squeeze %dma_start3A_272 : memref<1x100x64xi32, #tpu.memory_space<hbm>> -> memref<100x64xi32, #tpu.memory_space<hbm>>
      tpu.enqueue_dma source(%dma_start3A_273 : memref<100x64xi32, #tpu.memory_space<hbm>>) target(%arg5 : memref<100x64xi32, #tpu.memory_space<vmem>>) target_semaphore(%run_scoped3A : memref<!tpu.dma_semaphore, #tpu.memory_space<semaphore_mem>>)
      %dma_wait3A_274 = arith.constant 0 : i32
      %dma_wait3A_275 = arith.constant 0 : i32
      %dma_wait3A_276 = tpu.memref_slice %arg3[%add3A, %dma_wait3A_274, %dma_wait3A_275] : memref<32x100x64xi32, #tpu.memory_space<hbm>> -> memref<1x100x64xi32, #tpu.memory_space<hbm>>
      %dma_wait3A_277 = tpu.memref_squeeze %dma_wait3A_276 : memref<1x100x64xi32, #tpu.memory_space<hbm>> -> memref<100x64xi32, #tpu.memory_space<hbm>>
      %dma_wait3A_278 = arith.constant 0 : i32
      %dma_wait3A_279 = arith.constant 0 : i32
      %dma_wait3A_280 = tpu.memref_slice %arg3[%add3A, %dma_wait3A_278, %dma_wait3A_279] : memref<32x100x64xi32, #tpu.memory_space<hbm>> -> memref<1x100x64xi32, #tpu.memory_space<hbm>>
      %dma_wait3A_281 = tpu.memref_squeeze %dma_wait3A_280 : memref<1x100x64xi32, #tpu.memory_space<hbm>> -> memref<100x64xi32, #tpu.memory_space<hbm>>
      tpu.wait_dma2 semaphore(%run_scoped3A : memref<!tpu.dma_semaphore, #tpu.memory_space<semaphore_mem>>) src(%dma_wait3A_281 : memref<100x64xi32, #tpu.memory_space<hbm>>) dst(%arg5 : memref<100x64xi32, #tpu.memory_space<vmem>>)
      tpu.yield
    }) : () -> ()
    %dma_start3A = arith.constant 0 : i32
    %dma_start3A_3 = arith.constant 0 : i32
    %dma_start3A_4 = tpu.memref_slice %arg5[%dma_start3A, %dma_start3A_3] : memref<100x64xi32, #tpu.memory_space<vmem>> -> memref<1x64xi32, #tpu.memory_space<vmem>>
    %dma_start3A_5 = tpu.memref_squeeze %dma_start3A_4 : memref<1x64xi32, #tpu.memory_space<vmem>> -> memref<64xi32, #tpu.memory_space<vmem>>
    %dma_start3A_6 = arith.constant 0 : i32
    %dma_start3A_7 = arith.constant 0 : i32
    %dma_start3A_8 = tpu.memref_slice %arg2[%dma_start3A_6, %dma_start3A_7] : memref<100000x128xf32, #tpu.memory_space<hbm>> -> memref<100000x128xf32, #tpu.memory_space<hbm>>
    tpu.enqueue_indirect_dma source(%dma_start3A_8 : memref<100000x128xf32, #tpu.memory_space<hbm>>) target(%arg6 : memref<64x128xf32, #tpu.memory_space<vmem>>) offsets(%dma_start3A_5 : memref<64xi32, #tpu.memory_space<vmem>>) semaphore(%arg16 : memref<!tpu.dma_semaphore, #tpu.memory_space<semaphore_mem>>)
    %dma_start3A_9 = arith.constant 1 : i32
    %dma_start3A_10 = arith.constant 0 : i32
    %dma_start3A_11 = tpu.memref_slice %arg5[%dma_start3A_9, %dma_start3A_10] : memref<100x64xi32, #tpu.memory_space<vmem>> -> memref<1x64xi32, #tpu.memory_space<vmem>>
    %dma_start3A_12 = tpu.memref_squeeze %dma_start3A_11 : memref<1x64xi32, #tpu.memory_space<vmem>> -> memref<64xi32, #tpu.memory_space<vmem>>
    %dma_start3A_13 = arith.constant 0 : i32
    %dma_start3A_14 = arith.constant 0 : i32
    %dma_start3A_15 = tpu.memref_slice %arg2[%dma_start3A_13, %dma_start3A_14] : memref<100000x128xf32, #tpu.memory_space<hbm>> -> memref<100000x128xf32, #tpu.memory_space<hbm>>
    tpu.enqueue_indirect_dma source(%dma_start3A_15 : memref<100000x128xf32, #tpu.memory_space<hbm>>) target(%arg7 : memref<64x128xf32, #tpu.memory_space<vmem>>) offsets(%dma_start3A_12 : memref<64xi32, #tpu.memory_space<vmem>>) semaphore(%arg17 : memref<!tpu.dma_semaphore, #tpu.memory_space<semaphore_mem>>)
    %dma_start3A_16 = arith.constant 2 : i32
    %dma_start3A_17 = arith.constant 0 : i32
    %dma_start3A_18 = tpu.memref_slice %arg5[%dma_start3A_16, %dma_start3A_17] : memref<100x64xi32, #tpu.memory_space<vmem>> -> memref<1x64xi32, #tpu.memory_space<vmem>>
    %dma_start3A_19 = tpu.memref_squeeze %dma_start3A_18 : memref<1x64xi32, #tpu.memory_space<vmem>> -> memref<64xi32, #tpu.memory_space<vmem>>
    %dma_start3A_20 = arith.constant 0 : i32
    %dma_start3A_21 = arith.constant 0 : i32
    %dma_start3A_22 = tpu.memref_slice %arg2[%dma_start3A_20, %dma_start3A_21] : memref<100000x128xf32, #tpu.memory_space<hbm>> -> memref<100000x128xf32, #tpu.memory_space<hbm>>
    tpu.enqueue_indirect_dma source(%dma_start3A_22 : memref<100000x128xf32, #tpu.memory_space<hbm>>) target(%arg8 : memref<64x128xf32, #tpu.memory_space<vmem>>) offsets(%dma_start3A_19 : memref<64xi32, #tpu.memory_space<vmem>>) semaphore(%arg18 : memref<!tpu.dma_semaphore, #tpu.memory_space<semaphore_mem>>)
    %dma_start3A_23 = arith.constant 3 : i32
    %dma_start3A_24 = arith.constant 0 : i32
    %dma_start3A_25 = tpu.memref_slice %arg5[%dma_start3A_23, %dma_start3A_24] : memref<100x64xi32, #tpu.memory_space<vmem>> -> memref<1x64xi32, #tpu.memory_space<vmem>>
    %dma_start3A_26 = tpu.memref_squeeze %dma_start3A_25 : memref<1x64xi32, #tpu.memory_space<vmem>> -> memref<64xi32, #tpu.memory_space<vmem>>
    %dma_start3A_27 = arith.constant 0 : i32
    %dma_start3A_28 = arith.constant 0 : i32
    %dma_start3A_29 = tpu.memref_slice %arg2[%dma_start3A_27, %dma_start3A_28] : memref<100000x128xf32, #tpu.memory_space<hbm>> -> memref<100000x128xf32, #tpu.memory_space<hbm>>
    tpu.enqueue_indirect_dma source(%dma_start3A_29 : memref<100000x128xf32, #tpu.memory_space<hbm>>) target(%arg9 : memref<64x128xf32, #tpu.memory_space<vmem>>) offsets(%dma_start3A_26 : memref<64xi32, #tpu.memory_space<vmem>>) semaphore(%arg19 : memref<!tpu.dma_semaphore, #tpu.memory_space<semaphore_mem>>)
    %dma_start3A_30 = arith.constant 4 : i32
    %dma_start3A_31 = arith.constant 0 : i32
    %dma_start3A_32 = tpu.memref_slice %arg5[%dma_start3A_30, %dma_start3A_31] : memref<100x64xi32, #tpu.memory_space<vmem>> -> memref<1x64xi32, #tpu.memory_space<vmem>>
    %dma_start3A_33 = tpu.memref_squeeze %dma_start3A_32 : memref<1x64xi32, #tpu.memory_space<vmem>> -> memref<64xi32, #tpu.memory_space<vmem>>
    %dma_start3A_34 = arith.constant 0 : i32
    %dma_start3A_35 = arith.constant 0 : i32
    %dma_start3A_36 = tpu.memref_slice %arg2[%dma_start3A_34, %dma_start3A_35] : memref<100000x128xf32, #tpu.memory_space<hbm>> -> memref<100000x128xf32, #tpu.memory_space<hbm>>
    tpu.enqueue_indirect_dma source(%dma_start3A_36 : memref<100000x128xf32, #tpu.memory_space<hbm>>) target(%arg10 : memref<64x128xf32, #tpu.memory_space<vmem>>) offsets(%dma_start3A_33 : memref<64xi32, #tpu.memory_space<vmem>>) semaphore(%arg20 : memref<!tpu.dma_semaphore, #tpu.memory_space<semaphore_mem>>)
    %dma_start3A_37 = arith.constant 5 : i32
    %dma_start3A_38 = arith.constant 0 : i32
    %dma_start3A_39 = tpu.memref_slice %arg5[%dma_start3A_37, %dma_start3A_38] : memref<100x64xi32, #tpu.memory_space<vmem>> -> memref<1x64xi32, #tpu.memory_space<vmem>>
    %dma_start3A_40 = tpu.memref_squeeze %dma_start3A_39 : memref<1x64xi32, #tpu.memory_space<vmem>> -> memref<64xi32, #tpu.memory_space<vmem>>
    %dma_start3A_41 = arith.constant 0 : i32
    %dma_start3A_42 = arith.constant 0 : i32
    %dma_start3A_43 = tpu.memref_slice %arg2[%dma_start3A_41, %dma_start3A_42] : memref<100000x128xf32, #tpu.memory_space<hbm>> -> memref<100000x128xf32, #tpu.memory_space<hbm>>
    tpu.enqueue_indirect_dma source(%dma_start3A_43 : memref<100000x128xf32, #tpu.memory_space<hbm>>) target(%arg11 : memref<64x128xf32, #tpu.memory_space<vmem>>) offsets(%dma_start3A_40 : memref<64xi32, #tpu.memory_space<vmem>>) semaphore(%arg21 : memref<!tpu.dma_semaphore, #tpu.memory_space<semaphore_mem>>)
    %dma_start3A_44 = arith.constant 6 : i32
    %dma_start3A_45 = arith.constant 0 : i32
    %dma_start3A_46 = tpu.memref_slice %arg5[%dma_start3A_44, %dma_start3A_45] : memref<100x64xi32, #tpu.memory_space<vmem>> -> memref<1x64xi32, #tpu.memory_space<vmem>>
    %dma_start3A_47 = tpu.memref_squeeze %dma_start3A_46 : memref<1x64xi32, #tpu.memory_space<vmem>> -> memref<64xi32, #tpu.memory_space<vmem>>
    %dma_start3A_48 = arith.constant 0 : i32
    %dma_start3A_49 = arith.constant 0 : i32
    %dma_start3A_50 = tpu.memref_slice %arg2[%dma_start3A_48, %dma_start3A_49] : memref<100000x128xf32, #tpu.memory_space<hbm>> -> memref<100000x128xf32, #tpu.memory_space<hbm>>
    tpu.enqueue_indirect_dma source(%dma_start3A_50 : memref<100000x128xf32, #tpu.memory_space<hbm>>) target(%arg12 : memref<64x128xf32, #tpu.memory_space<vmem>>) offsets(%dma_start3A_47 : memref<64xi32, #tpu.memory_space<vmem>>) semaphore(%arg22 : memref<!tpu.dma_semaphore, #tpu.memory_space<semaphore_mem>>)
    %dma_start3A_51 = arith.constant 7 : i32
    %dma_start3A_52 = arith.constant 0 : i32
    %dma_start3A_53 = tpu.memref_slice %arg5[%dma_start3A_51, %dma_start3A_52] : memref<100x64xi32, #tpu.memory_space<vmem>> -> memref<1x64xi32, #tpu.memory_space<vmem>>
    %dma_start3A_54 = tpu.memref_squeeze %dma_start3A_53 : memref<1x64xi32, #tpu.memory_space<vmem>> -> memref<64xi32, #tpu.memory_space<vmem>>
    %dma_start3A_55 = arith.constant 0 : i32
    %dma_start3A_56 = arith.constant 0 : i32
    %dma_start3A_57 = tpu.memref_slice %arg2[%dma_start3A_55, %dma_start3A_56] : memref<100000x128xf32, #tpu.memory_space<hbm>> -> memref<100000x128xf32, #tpu.memory_space<hbm>>
    tpu.enqueue_indirect_dma source(%dma_start3A_57 : memref<100000x128xf32, #tpu.memory_space<hbm>>) target(%arg13 : memref<64x128xf32, #tpu.memory_space<vmem>>) offsets(%dma_start3A_54 : memref<64xi32, #tpu.memory_space<vmem>>) semaphore(%arg23 : memref<!tpu.dma_semaphore, #tpu.memory_space<semaphore_mem>>)
    %dma_start3A_58 = arith.constant 8 : i32
    %dma_start3A_59 = arith.constant 0 : i32
    %dma_start3A_60 = tpu.memref_slice %arg5[%dma_start3A_58, %dma_start3A_59] : memref<100x64xi32, #tpu.memory_space<vmem>> -> memref<1x64xi32, #tpu.memory_space<vmem>>
    %dma_start3A_61 = tpu.memref_squeeze %dma_start3A_60 : memref<1x64xi32, #tpu.memory_space<vmem>> -> memref<64xi32, #tpu.memory_space<vmem>>
    %dma_start3A_62 = arith.constant 0 : i32
    %dma_start3A_63 = arith.constant 0 : i32
    %dma_start3A_64 = tpu.memref_slice %arg2[%dma_start3A_62, %dma_start3A_63] : memref<100000x128xf32, #tpu.memory_space<hbm>> -> memref<100000x128xf32, #tpu.memory_space<hbm>>
    tpu.enqueue_indirect_dma source(%dma_start3A_64 : memref<100000x128xf32, #tpu.memory_space<hbm>>) target(%arg14 : memref<64x128xf32, #tpu.memory_space<vmem>>) offsets(%dma_start3A_61 : memref<64xi32, #tpu.memory_space<vmem>>) semaphore(%arg24 : memref<!tpu.dma_semaphore, #tpu.memory_space<semaphore_mem>>)
    %dma_start3A_65 = arith.constant 9 : i32
    %dma_start3A_66 = arith.constant 0 : i32
    %dma_start3A_67 = tpu.memref_slice %arg5[%dma_start3A_65, %dma_start3A_66] : memref<100x64xi32, #tpu.memory_space<vmem>> -> memref<1x64xi32, #tpu.memory_space<vmem>>
    %dma_start3A_68 = tpu.memref_squeeze %dma_start3A_67 : memref<1x64xi32, #tpu.memory_space<vmem>> -> memref<64xi32, #tpu.memory_space<vmem>>
    %dma_start3A_69 = arith.constant 0 : i32
    %dma_start3A_70 = arith.constant 0 : i32
    %dma_start3A_71 = tpu.memref_slice %arg2[%dma_start3A_69, %dma_start3A_70] : memref<100000x128xf32, #tpu.memory_space<hbm>> -> memref<100000x128xf32, #tpu.memory_space<hbm>>
    tpu.enqueue_indirect_dma source(%dma_start3A_71 : memref<100000x128xf32, #tpu.memory_space<hbm>>) target(%arg15 : memref<64x128xf32, #tpu.memory_space<vmem>>) offsets(%dma_start3A_68 : memref<64xi32, #tpu.memory_space<vmem>>) semaphore(%arg25 : memref<!tpu.dma_semaphore, #tpu.memory_space<semaphore_mem>>)
    %scan3A = arith.constant 0 : i32
    %scan3A_72 = arith.constant 0 : i32
    %scan3A_73 = arith.constant 9 : i32
    %scan3A_74 = arith.addi %scan3A_72, %scan3A_73 : i32
    %scan3A_75 = arith.constant 1 : i32
    scf.for %scan3A_266 = %scan3A_72 to %scan3A_74 step %scan3A_75  : i32 {
      %mul3A_267 = arith.constant 10 : i32
      %mul3A_268 = arith.muli %scan3A_266, %mul3A_267 : i32
      %add3A_269 = arith.constant 0 : i32
      %add3A_270 = arith.addi %mul3A_268, %add3A_269 : i32
      %dma_wait3A_271 = arith.constant 0 : i32
      %dma_wait3A_272 = tpu.memref_slice %arg5[%add3A_270, %dma_wait3A_271] : memref<100x64xi32, #tpu.memory_space<vmem>> -> memref<1x64xi32, #tpu.memory_space<vmem>>
      %dma_wait3A_273 = tpu.memref_squeeze %dma_wait3A_272 : memref<1x64xi32, #tpu.memory_space<vmem>> -> memref<64xi32, #tpu.memory_space<vmem>>
      %dma_wait3A_274 = arith.constant 0 : i32
      %dma_wait3A_275 = arith.constant 0 : i32
      %dma_wait3A_276 = tpu.memref_slice %arg2[%dma_wait3A_274, %dma_wait3A_275] : memref<100000x128xf32, #tpu.memory_space<hbm>> -> memref<100000x128xf32, #tpu.memory_space<hbm>>
      tpu.wait_indirect_dma semaphore(%arg16 : memref<!tpu.dma_semaphore, #tpu.memory_space<semaphore_mem>>) src(%dma_wait3A_276 : memref<100000x128xf32, #tpu.memory_space<hbm>>) dst(%arg6 : memref<64x128xf32, #tpu.memory_space<vmem>>)
      %add3A_277 = arith.constant 0 : i32
      %add3A_278 = arith.addi %mul3A_268, %add3A_277 : i32
      %mul3A_279 = arith.constant 64 : i32
      %mul3A_280 = arith.muli %add3A_278, %mul3A_279 : i32
      %add3A_281 = arith.addi %mul3A_2, %mul3A_280 : i32
      %dma_start3A_282 = arith.constant 0 : i32
      %dma_start3A_283 = tpu.memref_slice %arg4[%add3A_281, %dma_start3A_282] : memref<204800x128xf32, #tpu.memory_space<hbm>> -> memref<64x128xf32, #tpu.memory_space<hbm>>
      %dma_start3A_284 = arith.constant 0 : i32
      %dma_start3A_285 = tpu.memref_slice %arg4[%add3A_281, %dma_start3A_284] : memref<204800x128xf32, #tpu.memory_space<hbm>> -> memref<64x128xf32, #tpu.memory_space<hbm>>
      tpu.enqueue_dma source(%arg6 : memref<64x128xf32, #tpu.memory_space<vmem>>) target(%dma_start3A_285 : memref<64x128xf32, #tpu.memory_space<hbm>>) target_semaphore(%arg26 : memref<!tpu.dma_semaphore, #tpu.memory_space<semaphore_mem>>)
      %add3A_286 = arith.constant 1 : i32
      %add3A_287 = arith.addi %mul3A_268, %add3A_286 : i32
      %dma_wait3A_288 = arith.constant 0 : i32
      %dma_wait3A_289 = tpu.memref_slice %arg5[%add3A_287, %dma_wait3A_288] : memref<100x64xi32, #tpu.memory_space<vmem>> -> memref<1x64xi32, #tpu.memory_space<vmem>>
      %dma_wait3A_290 = tpu.memref_squeeze %dma_wait3A_289 : memref<1x64xi32, #tpu.memory_space<vmem>> -> memref<64xi32, #tpu.memory_space<vmem>>
      %dma_wait3A_291 = arith.constant 0 : i32
      %dma_wait3A_292 = arith.constant 0 : i32
      %dma_wait3A_293 = tpu.memref_slice %arg2[%dma_wait3A_291, %dma_wait3A_292] : memref<100000x128xf32, #tpu.memory_space<hbm>> -> memref<100000x128xf32, #tpu.memory_space<hbm>>
      tpu.wait_indirect_dma semaphore(%arg17 : memref<!tpu.dma_semaphore, #tpu.memory_space<semaphore_mem>>) src(%dma_wait3A_293 : memref<100000x128xf32, #tpu.memory_space<hbm>>) dst(%arg7 : memref<64x128xf32, #tpu.memory_space<vmem>>)
      %add3A_294 = arith.constant 1 : i32
      %add3A_295 = arith.addi %mul3A_268, %add3A_294 : i32
      %mul3A_296 = arith.constant 64 : i32
      %mul3A_297 = arith.muli %add3A_295, %mul3A_296 : i32
      %add3A_298 = arith.addi %mul3A_2, %mul3A_297 : i32
      %dma_start3A_299 = arith.constant 0 : i32
      %dma_start3A_300 = tpu.memref_slice %arg4[%add3A_298, %dma_start3A_299] : memref<204800x128xf32, #tpu.memory_space<hbm>> -> memref<64x128xf32, #tpu.memory_space<hbm>>
      %dma_start3A_301 = arith.constant 0 : i32
      %dma_start3A_302 = tpu.memref_slice %arg4[%add3A_298, %dma_start3A_301] : memref<204800x128xf32, #tpu.memory_space<hbm>> -> memref<64x128xf32, #tpu.memory_space<hbm>>
      tpu.enqueue_dma source(%arg7 : memref<64x128xf32, #tpu.memory_space<vmem>>) target(%dma_start3A_302 : memref<64x128xf32, #tpu.memory_space<hbm>>) target_semaphore(%arg27 : memref<!tpu.dma_semaphore, #tpu.memory_space<semaphore_mem>>)
      %add3A_303 = arith.constant 2 : i32
      %add3A_304 = arith.addi %mul3A_268, %add3A_303 : i32
      %dma_wait3A_305 = arith.constant 0 : i32
      %dma_wait3A_306 = tpu.memref_slice %arg5[%add3A_304, %dma_wait3A_305] : memref<100x64xi32, #tpu.memory_space<vmem>> -> memref<1x64xi32, #tpu.memory_space<vmem>>
      %dma_wait3A_307 = tpu.memref_squeeze %dma_wait3A_306 : memref<1x64xi32, #tpu.memory_space<vmem>> -> memref<64xi32, #tpu.memory_space<vmem>>
      %dma_wait3A_308 = arith.constant 0 : i32
      %dma_wait3A_309 = arith.constant 0 : i32
      %dma_wait3A_310 = tpu.memref_slice %arg2[%dma_wait3A_308, %dma_wait3A_309] : memref<100000x128xf32, #tpu.memory_space<hbm>> -> memref<100000x128xf32, #tpu.memory_space<hbm>>
      tpu.wait_indirect_dma semaphore(%arg18 : memref<!tpu.dma_semaphore, #tpu.memory_space<semaphore_mem>>) src(%dma_wait3A_310 : memref<100000x128xf32, #tpu.memory_space<hbm>>) dst(%arg8 : memref<64x128xf32, #tpu.memory_space<vmem>>)
      %add3A_311 = arith.constant 2 : i32
      %add3A_312 = arith.addi %mul3A_268, %add3A_311 : i32
      %mul3A_313 = arith.constant 64 : i32
      %mul3A_314 = arith.muli %add3A_312, %mul3A_313 : i32
      %add3A_315 = arith.addi %mul3A_2, %mul3A_314 : i32
      %dma_start3A_316 = arith.constant 0 : i32
      %dma_start3A_317 = tpu.memref_slice %arg4[%add3A_315, %dma_start3A_316] : memref<204800x128xf32, #tpu.memory_space<hbm>> -> memref<64x128xf32, #tpu.memory_space<hbm>>
      %dma_start3A_318 = arith.constant 0 : i32
      %dma_start3A_319 = tpu.memref_slice %arg4[%add3A_315, %dma_start3A_318] : memref<204800x128xf32, #tpu.memory_space<hbm>> -> memref<64x128xf32, #tpu.memory_space<hbm>>
      tpu.enqueue_dma source(%arg8 : memref<64x128xf32, #tpu.memory_space<vmem>>) target(%dma_start3A_319 : memref<64x128xf32, #tpu.memory_space<hbm>>) target_semaphore(%arg28 : memref<!tpu.dma_semaphore, #tpu.memory_space<semaphore_mem>>)
      %add3A_320 = arith.constant 3 : i32
      %add3A_321 = arith.addi %mul3A_268, %add3A_320 : i32
      %dma_wait3A_322 = arith.constant 0 : i32
      %dma_wait3A_323 = tpu.memref_slice %arg5[%add3A_321, %dma_wait3A_322] : memref<100x64xi32, #tpu.memory_space<vmem>> -> memref<1x64xi32, #tpu.memory_space<vmem>>
      %dma_wait3A_324 = tpu.memref_squeeze %dma_wait3A_323 : memref<1x64xi32, #tpu.memory_space<vmem>> -> memref<64xi32, #tpu.memory_space<vmem>>
      %dma_wait3A_325 = arith.constant 0 : i32
      %dma_wait3A_326 = arith.constant 0 : i32
      %dma_wait3A_327 = tpu.memref_slice %arg2[%dma_wait3A_325, %dma_wait3A_326] : memref<100000x128xf32, #tpu.memory_space<hbm>> -> memref<100000x128xf32, #tpu.memory_space<hbm>>
      tpu.wait_indirect_dma semaphore(%arg19 : memref<!tpu.dma_semaphore, #tpu.memory_space<semaphore_mem>>) src(%dma_wait3A_327 : memref<100000x128xf32, #tpu.memory_space<hbm>>) dst(%arg9 : memref<64x128xf32, #tpu.memory_space<vmem>>)
      %add3A_328 = arith.constant 3 : i32
      %add3A_329 = arith.addi %mul3A_268, %add3A_328 : i32
      %mul3A_330 = arith.constant 64 : i32
      %mul3A_331 = arith.muli %add3A_329, %mul3A_330 : i32
      %add3A_332 = arith.addi %mul3A_2, %mul3A_331 : i32
      %dma_start3A_333 = arith.constant 0 : i32
      %dma_start3A_334 = tpu.memref_slice %arg4[%add3A_332, %dma_start3A_333] : memref<204800x128xf32, #tpu.memory_space<hbm>> -> memref<64x128xf32, #tpu.memory_space<hbm>>
      %dma_start3A_335 = arith.constant 0 : i32
      %dma_start3A_336 = tpu.memref_slice %arg4[%add3A_332, %dma_start3A_335] : memref<204800x128xf32, #tpu.memory_space<hbm>> -> memref<64x128xf32, #tpu.memory_space<hbm>>
      tpu.enqueue_dma source(%arg9 : memref<64x128xf32, #tpu.memory_space<vmem>>) target(%dma_start3A_336 : memref<64x128xf32, #tpu.memory_space<hbm>>) target_semaphore(%arg29 : memref<!tpu.dma_semaphore, #tpu.memory_space<semaphore_mem>>)
      %add3A_337 = arith.constant 4 : i32
      %add3A_338 = arith.addi %mul3A_268, %add3A_337 : i32
      %dma_wait3A_339 = arith.constant 0 : i32
      %dma_wait3A_340 = tpu.memref_slice %arg5[%add3A_338, %dma_wait3A_339] : memref<100x64xi32, #tpu.memory_space<vmem>> -> memref<1x64xi32, #tpu.memory_space<vmem>>
      %dma_wait3A_341 = tpu.memref_squeeze %dma_wait3A_340 : memref<1x64xi32, #tpu.memory_space<vmem>> -> memref<64xi32, #tpu.memory_space<vmem>>
      %dma_wait3A_342 = arith.constant 0 : i32
      %dma_wait3A_343 = arith.constant 0 : i32
      %dma_wait3A_344 = tpu.memref_slice %arg2[%dma_wait3A_342, %dma_wait3A_343] : memref<100000x128xf32, #tpu.memory_space<hbm>> -> memref<100000x128xf32, #tpu.memory_space<hbm>>
      tpu.wait_indirect_dma semaphore(%arg20 : memref<!tpu.dma_semaphore, #tpu.memory_space<semaphore_mem>>) src(%dma_wait3A_344 : memref<100000x128xf32, #tpu.memory_space<hbm>>) dst(%arg10 : memref<64x128xf32, #tpu.memory_space<vmem>>)
      %add3A_345 = arith.constant 4 : i32
      %add3A_346 = arith.addi %mul3A_268, %add3A_345 : i32
      %mul3A_347 = arith.constant 64 : i32
      %mul3A_348 = arith.muli %add3A_346, %mul3A_347 : i32
      %add3A_349 = arith.addi %mul3A_2, %mul3A_348 : i32
      %dma_start3A_350 = arith.constant 0 : i32
      %dma_start3A_351 = tpu.memref_slice %arg4[%add3A_349, %dma_start3A_350] : memref<204800x128xf32, #tpu.memory_space<hbm>> -> memref<64x128xf32, #tpu.memory_space<hbm>>
      %dma_start3A_352 = arith.constant 0 : i32
      %dma_start3A_353 = tpu.memref_slice %arg4[%add3A_349, %dma_start3A_352] : memref<204800x128xf32, #tpu.memory_space<hbm>> -> memref<64x128xf32, #tpu.memory_space<hbm>>
      tpu.enqueue_dma source(%arg10 : memref<64x128xf32, #tpu.memory_space<vmem>>) target(%dma_start3A_353 : memref<64x128xf32, #tpu.memory_space<hbm>>) target_semaphore(%arg30 : memref<!tpu.dma_semaphore, #tpu.memory_space<semaphore_mem>>)
      %add3A_354 = arith.constant 5 : i32
      %add3A_355 = arith.addi %mul3A_268, %add3A_354 : i32
      %dma_wait3A_356 = arith.constant 0 : i32
      %dma_wait3A_357 = tpu.memref_slice %arg5[%add3A_355, %dma_wait3A_356] : memref<100x64xi32, #tpu.memory_space<vmem>> -> memref<1x64xi32, #tpu.memory_space<vmem>>
      %dma_wait3A_358 = tpu.memref_squeeze %dma_wait3A_357 : memref<1x64xi32, #tpu.memory_space<vmem>> -> memref<64xi32, #tpu.memory_space<vmem>>
      %dma_wait3A_359 = arith.constant 0 : i32
      %dma_wait3A_360 = arith.constant 0 : i32
      %dma_wait3A_361 = tpu.memref_slice %arg2[%dma_wait3A_359, %dma_wait3A_360] : memref<100000x128xf32, #tpu.memory_space<hbm>> -> memref<100000x128xf32, #tpu.memory_space<hbm>>
      tpu.wait_indirect_dma semaphore(%arg21 : memref<!tpu.dma_semaphore, #tpu.memory_space<semaphore_mem>>) src(%dma_wait3A_361 : memref<100000x128xf32, #tpu.memory_space<hbm>>) dst(%arg11 : memref<64x128xf32, #tpu.memory_space<vmem>>)
      %add3A_362 = arith.constant 5 : i32
      %add3A_363 = arith.addi %mul3A_268, %add3A_362 : i32
      %mul3A_364 = arith.constant 64 : i32
      %mul3A_365 = arith.muli %add3A_363, %mul3A_364 : i32
      %add3A_366 = arith.addi %mul3A_2, %mul3A_365 : i32
      %dma_start3A_367 = arith.constant 0 : i32
      %dma_start3A_368 = tpu.memref_slice %arg4[%add3A_366, %dma_start3A_367] : memref<204800x128xf32, #tpu.memory_space<hbm>> -> memref<64x128xf32, #tpu.memory_space<hbm>>
      %dma_start3A_369 = arith.constant 0 : i32
      %dma_start3A_370 = tpu.memref_slice %arg4[%add3A_366, %dma_start3A_369] : memref<204800x128xf32, #tpu.memory_space<hbm>> -> memref<64x128xf32, #tpu.memory_space<hbm>>
      tpu.enqueue_dma source(%arg11 : memref<64x128xf32, #tpu.memory_space<vmem>>) target(%dma_start3A_370 : memref<64x128xf32, #tpu.memory_space<hbm>>) target_semaphore(%arg31 : memref<!tpu.dma_semaphore, #tpu.memory_space<semaphore_mem>>)
      %add3A_371 = arith.constant 6 : i32
      %add3A_372 = arith.addi %mul3A_268, %add3A_371 : i32
      %dma_wait3A_373 = arith.constant 0 : i32
      %dma_wait3A_374 = tpu.memref_slice %arg5[%add3A_372, %dma_wait3A_373] : memref<100x64xi32, #tpu.memory_space<vmem>> -> memref<1x64xi32, #tpu.memory_space<vmem>>
      %dma_wait3A_375 = tpu.memref_squeeze %dma_wait3A_374 : memref<1x64xi32, #tpu.memory_space<vmem>> -> memref<64xi32, #tpu.memory_space<vmem>>
      %dma_wait3A_376 = arith.constant 0 : i32
      %dma_wait3A_377 = arith.constant 0 : i32
      %dma_wait3A_378 = tpu.memref_slice %arg2[%dma_wait3A_376, %dma_wait3A_377] : memref<100000x128xf32, #tpu.memory_space<hbm>> -> memref<100000x128xf32, #tpu.memory_space<hbm>>
      tpu.wait_indirect_dma semaphore(%arg22 : memref<!tpu.dma_semaphore, #tpu.memory_space<semaphore_mem>>) src(%dma_wait3A_378 : memref<100000x128xf32, #tpu.memory_space<hbm>>) dst(%arg12 : memref<64x128xf32, #tpu.memory_space<vmem>>)
      %add3A_379 = arith.constant 6 : i32
      %add3A_380 = arith.addi %mul3A_268, %add3A_379 : i32
      %mul3A_381 = arith.constant 64 : i32
      %mul3A_382 = arith.muli %add3A_380, %mul3A_381 : i32
      %add3A_383 = arith.addi %mul3A_2, %mul3A_382 : i32
      %dma_start3A_384 = arith.constant 0 : i32
      %dma_start3A_385 = tpu.memref_slice %arg4[%add3A_383, %dma_start3A_384] : memref<204800x128xf32, #tpu.memory_space<hbm>> -> memref<64x128xf32, #tpu.memory_space<hbm>>
      %dma_start3A_386 = arith.constant 0 : i32
      %dma_start3A_387 = tpu.memref_slice %arg4[%add3A_383, %dma_start3A_386] : memref<204800x128xf32, #tpu.memory_space<hbm>> -> memref<64x128xf32, #tpu.memory_space<hbm>>
      tpu.enqueue_dma source(%arg12 : memref<64x128xf32, #tpu.memory_space<vmem>>) target(%dma_start3A_387 : memref<64x128xf32, #tpu.memory_space<hbm>>) target_semaphore(%arg32 : memref<!tpu.dma_semaphore, #tpu.memory_space<semaphore_mem>>)
      %add3A_388 = arith.constant 7 : i32
      %add3A_389 = arith.addi %mul3A_268, %add3A_388 : i32
      %dma_wait3A_390 = arith.constant 0 : i32
      %dma_wait3A_391 = tpu.memref_slice %arg5[%add3A_389, %dma_wait3A_390] : memref<100x64xi32, #tpu.memory_space<vmem>> -> memref<1x64xi32, #tpu.memory_space<vmem>>
      %dma_wait3A_392 = tpu.memref_squeeze %dma_wait3A_391 : memref<1x64xi32, #tpu.memory_space<vmem>> -> memref<64xi32, #tpu.memory_space<vmem>>
      %dma_wait3A_393 = arith.constant 0 : i32
      %dma_wait3A_394 = arith.constant 0 : i32
      %dma_wait3A_395 = tpu.memref_slice %arg2[%dma_wait3A_393, %dma_wait3A_394] : memref<100000x128xf32, #tpu.memory_space<hbm>> -> memref<100000x128xf32, #tpu.memory_space<hbm>>
      tpu.wait_indirect_dma semaphore(%arg23 : memref<!tpu.dma_semaphore, #tpu.memory_space<semaphore_mem>>) src(%dma_wait3A_395 : memref<100000x128xf32, #tpu.memory_space<hbm>>) dst(%arg13 : memref<64x128xf32, #tpu.memory_space<vmem>>)
      %add3A_396 = arith.constant 7 : i32
      %add3A_397 = arith.addi %mul3A_268, %add3A_396 : i32
      %mul3A_398 = arith.constant 64 : i32
      %mul3A_399 = arith.muli %add3A_397, %mul3A_398 : i32
      %add3A_400 = arith.addi %mul3A_2, %mul3A_399 : i32
      %dma_start3A_401 = arith.constant 0 : i32
      %dma_start3A_402 = tpu.memref_slice %arg4[%add3A_400, %dma_start3A_401] : memref<204800x128xf32, #tpu.memory_space<hbm>> -> memref<64x128xf32, #tpu.memory_space<hbm>>
      %dma_start3A_403 = arith.constant 0 : i32
      %dma_start3A_404 = tpu.memref_slice %arg4[%add3A_400, %dma_start3A_403] : memref<204800x128xf32, #tpu.memory_space<hbm>> -> memref<64x128xf32, #tpu.memory_space<hbm>>
      tpu.enqueue_dma source(%arg13 : memref<64x128xf32, #tpu.memory_space<vmem>>) target(%dma_start3A_404 : memref<64x128xf32, #tpu.memory_space<hbm>>) target_semaphore(%arg33 : memref<!tpu.dma_semaphore, #tpu.memory_space<semaphore_mem>>)
      %add3A_405 = arith.constant 8 : i32
      %add3A_406 = arith.addi %mul3A_268, %add3A_405 : i32
      %dma_wait3A_407 = arith.constant 0 : i32
      %dma_wait3A_408 = tpu.memref_slice %arg5[%add3A_406, %dma_wait3A_407] : memref<100x64xi32, #tpu.memory_space<vmem>> -> memref<1x64xi32, #tpu.memory_space<vmem>>
      %dma_wait3A_409 = tpu.memref_squeeze %dma_wait3A_408 : memref<1x64xi32, #tpu.memory_space<vmem>> -> memref<64xi32, #tpu.memory_space<vmem>>
      %dma_wait3A_410 = arith.constant 0 : i32
      %dma_wait3A_411 = arith.constant 0 : i32
      %dma_wait3A_412 = tpu.memref_slice %arg2[%dma_wait3A_410, %dma_wait3A_411] : memref<100000x128xf32, #tpu.memory_space<hbm>> -> memref<100000x128xf32, #tpu.memory_space<hbm>>
      tpu.wait_indirect_dma semaphore(%arg24 : memref<!tpu.dma_semaphore, #tpu.memory_space<semaphore_mem>>) src(%dma_wait3A_412 : memref<100000x128xf32, #tpu.memory_space<hbm>>) dst(%arg14 : memref<64x128xf32, #tpu.memory_space<vmem>>)
      %add3A_413 = arith.constant 8 : i32
      %add3A_414 = arith.addi %mul3A_268, %add3A_413 : i32
      %mul3A_415 = arith.constant 64 : i32
      %mul3A_416 = arith.muli %add3A_414, %mul3A_415 : i32
      %add3A_417 = arith.addi %mul3A_2, %mul3A_416 : i32
      %dma_start3A_418 = arith.constant 0 : i32
      %dma_start3A_419 = tpu.memref_slice %arg4[%add3A_417, %dma_start3A_418] : memref<204800x128xf32, #tpu.memory_space<hbm>> -> memref<64x128xf32, #tpu.memory_space<hbm>>
      %dma_start3A_420 = arith.constant 0 : i32
      %dma_start3A_421 = tpu.memref_slice %arg4[%add3A_417, %dma_start3A_420] : memref<204800x128xf32, #tpu.memory_space<hbm>> -> memref<64x128xf32, #tpu.memory_space<hbm>>
      tpu.enqueue_dma source(%arg14 : memref<64x128xf32, #tpu.memory_space<vmem>>) target(%dma_start3A_421 : memref<64x128xf32, #tpu.memory_space<hbm>>) target_semaphore(%arg34 : memref<!tpu.dma_semaphore, #tpu.memory_space<semaphore_mem>>)
      %add3A_422 = arith.constant 9 : i32
      %add3A_423 = arith.addi %mul3A_268, %add3A_422 : i32
      %dma_wait3A_424 = arith.constant 0 : i32
      %dma_wait3A_425 = tpu.memref_slice %arg5[%add3A_423, %dma_wait3A_424] : memref<100x64xi32, #tpu.memory_space<vmem>> -> memref<1x64xi32, #tpu.memory_space<vmem>>
      %dma_wait3A_426 = tpu.memref_squeeze %dma_wait3A_425 : memref<1x64xi32, #tpu.memory_space<vmem>> -> memref<64xi32, #tpu.memory_space<vmem>>
      %dma_wait3A_427 = arith.constant 0 : i32
      %dma_wait3A_428 = arith.constant 0 : i32
      %dma_wait3A_429 = tpu.memref_slice %arg2[%dma_wait3A_427, %dma_wait3A_428] : memref<100000x128xf32, #tpu.memory_space<hbm>> -> memref<100000x128xf32, #tpu.memory_space<hbm>>
      tpu.wait_indirect_dma semaphore(%arg25 : memref<!tpu.dma_semaphore, #tpu.memory_space<semaphore_mem>>) src(%dma_wait3A_429 : memref<100000x128xf32, #tpu.memory_space<hbm>>) dst(%arg15 : memref<64x128xf32, #tpu.memory_space<vmem>>)
      %add3A_430 = arith.constant 9 : i32
      %add3A_431 = arith.addi %mul3A_268, %add3A_430 : i32
      %mul3A_432 = arith.constant 64 : i32
      %mul3A_433 = arith.muli %add3A_431, %mul3A_432 : i32
      %add3A_434 = arith.addi %mul3A_2, %mul3A_433 : i32
      %dma_start3A_435 = arith.constant 0 : i32
      %dma_start3A_436 = tpu.memref_slice %arg4[%add3A_434, %dma_start3A_435] : memref<204800x128xf32, #tpu.memory_space<hbm>> -> memref<64x128xf32, #tpu.memory_space<hbm>>
      %dma_start3A_437 = arith.constant 0 : i32
      %dma_start3A_438 = tpu.memref_slice %arg4[%add3A_434, %dma_start3A_437] : memref<204800x128xf32, #tpu.memory_space<hbm>> -> memref<64x128xf32, #tpu.memory_space<hbm>>
      tpu.enqueue_dma source(%arg15 : memref<64x128xf32, #tpu.memory_space<vmem>>) target(%dma_start3A_438 : memref<64x128xf32, #tpu.memory_space<hbm>>) target_semaphore(%arg35 : memref<!tpu.dma_semaphore, #tpu.memory_space<semaphore_mem>>)
      %add3A_439 = arith.constant 0 : i32
      %add3A_440 = arith.addi %mul3A_268, %add3A_439 : i32
      %mul3A_441 = arith.constant 64 : i32
      %mul3A_442 = arith.muli %add3A_440, %mul3A_441 : i32
      %add3A_443 = arith.addi %mul3A_2, %mul3A_442 : i32
      %dma_wait3A_444 = arith.constant 0 : i32
      %dma_wait3A_445 = tpu.memref_slice %arg4[%add3A_443, %dma_wait3A_444] : memref<204800x128xf32, #tpu.memory_space<hbm>> -> memref<64x128xf32, #tpu.memory_space<hbm>>
      %dma_wait3A_446 = arith.constant 0 : i32
      %dma_wait3A_447 = tpu.memref_slice %arg4[%add3A_443, %dma_wait3A_446] : memref<204800x128xf32, #tpu.memory_space<hbm>> -> memref<64x128xf32, #tpu.memory_space<hbm>>
      tpu.wait_dma2 semaphore(%arg26 : memref<!tpu.dma_semaphore, #tpu.memory_space<semaphore_mem>>) src(%arg6 : memref<64x128xf32, #tpu.memory_space<vmem>>) dst(%dma_wait3A_447 : memref<64x128xf32, #tpu.memory_space<hbm>>)
      %add3A_448 = arith.constant 0 : i32
      %add3A_449 = arith.addi %mul3A_268, %add3A_448 : i32
      %add3A_450 = arith.constant 10 : i32
      %add3A_451 = arith.addi %add3A_449, %add3A_450 : i32
      %dma_start3A_452 = arith.constant 0 : i32
      %dma_start3A_453 = tpu.memref_slice %arg5[%add3A_451, %dma_start3A_452] : memref<100x64xi32, #tpu.memory_space<vmem>> -> memref<1x64xi32, #tpu.memory_space<vmem>>
      %dma_start3A_454 = tpu.memref_squeeze %dma_start3A_453 : memref<1x64xi32, #tpu.memory_space<vmem>> -> memref<64xi32, #tpu.memory_space<vmem>>
      %dma_start3A_455 = arith.constant 0 : i32
      %dma_start3A_456 = arith.constant 0 : i32
      %dma_start3A_457 = tpu.memref_slice %arg2[%dma_start3A_455, %dma_start3A_456] : memref<100000x128xf32, #tpu.memory_space<hbm>> -> memref<100000x128xf32, #tpu.memory_space<hbm>>
      tpu.enqueue_indirect_dma source(%dma_start3A_457 : memref<100000x128xf32, #tpu.memory_space<hbm>>) target(%arg6 : memref<64x128xf32, #tpu.memory_space<vmem>>) offsets(%dma_start3A_454 : memref<64xi32, #tpu.memory_space<vmem>>) semaphore(%arg16 : memref<!tpu.dma_semaphore, #tpu.memory_space<semaphore_mem>>)
      %add3A_458 = arith.constant 1 : i32
      %add3A_459 = arith.addi %mul3A_268, %add3A_458 : i32
      %mul3A_460 = arith.constant 64 : i32
      %mul3A_461 = arith.muli %add3A_459, %mul3A_460 : i32
      %add3A_462 = arith.addi %mul3A_2, %mul3A_461 : i32
      %dma_wait3A_463 = arith.constant 0 : i32
      %dma_wait3A_464 = tpu.memref_slice %arg4[%add3A_462, %dma_wait3A_463] : memref<204800x128xf32, #tpu.memory_space<hbm>> -> memref<64x128xf32, #tpu.memory_space<hbm>>
      %dma_wait3A_465 = arith.constant 0 : i32
      %dma_wait3A_466 = tpu.memref_slice %arg4[%add3A_462, %dma_wait3A_465] : memref<204800x128xf32, #tpu.memory_space<hbm>> -> memref<64x128xf32, #tpu.memory_space<hbm>>
      tpu.wait_dma2 semaphore(%arg27 : memref<!tpu.dma_semaphore, #tpu.memory_space<semaphore_mem>>) src(%arg7 : memref<64x128xf32, #tpu.memory_space<vmem>>) dst(%dma_wait3A_466 : memref<64x128xf32, #tpu.memory_space<hbm>>)
      %add3A_467 = arith.constant 1 : i32
      %add3A_468 = arith.addi %mul3A_268, %add3A_467 : i32
      %add3A_469 = arith.constant 10 : i32
      %add3A_470 = arith.addi %add3A_468, %add3A_469 : i32
      %dma_start3A_471 = arith.constant 0 : i32
      %dma_start3A_472 = tpu.memref_slice %arg5[%add3A_470, %dma_start3A_471] : memref<100x64xi32, #tpu.memory_space<vmem>> -> memref<1x64xi32, #tpu.memory_space<vmem>>
      %dma_start3A_473 = tpu.memref_squeeze %dma_start3A_472 : memref<1x64xi32, #tpu.memory_space<vmem>> -> memref<64xi32, #tpu.memory_space<vmem>>
      %dma_start3A_474 = arith.constant 0 : i32
      %dma_start3A_475 = arith.constant 0 : i32
      %dma_start3A_476 = tpu.memref_slice %arg2[%dma_start3A_474, %dma_start3A_475] : memref<100000x128xf32, #tpu.memory_space<hbm>> -> memref<100000x128xf32, #tpu.memory_space<hbm>>
      tpu.enqueue_indirect_dma source(%dma_start3A_476 : memref<100000x128xf32, #tpu.memory_space<hbm>>) target(%arg7 : memref<64x128xf32, #tpu.memory_space<vmem>>) offsets(%dma_start3A_473 : memref<64xi32, #tpu.memory_space<vmem>>) semaphore(%arg17 : memref<!tpu.dma_semaphore, #tpu.memory_space<semaphore_mem>>)
      %add3A_477 = arith.constant 2 : i32
      %add3A_478 = arith.addi %mul3A_268, %add3A_477 : i32
      %mul3A_479 = arith.constant 64 : i32
      %mul3A_480 = arith.muli %add3A_478, %mul3A_479 : i32
      %add3A_481 = arith.addi %mul3A_2, %mul3A_480 : i32
      %dma_wait3A_482 = arith.constant 0 : i32
      %dma_wait3A_483 = tpu.memref_slice %arg4[%add3A_481, %dma_wait3A_482] : memref<204800x128xf32, #tpu.memory_space<hbm>> -> memref<64x128xf32, #tpu.memory_space<hbm>>
      %dma_wait3A_484 = arith.constant 0 : i32
      %dma_wait3A_485 = tpu.memref_slice %arg4[%add3A_481, %dma_wait3A_484] : memref<204800x128xf32, #tpu.memory_space<hbm>> -> memref<64x128xf32, #tpu.memory_space<hbm>>
      tpu.wait_dma2 semaphore(%arg28 : memref<!tpu.dma_semaphore, #tpu.memory_space<semaphore_mem>>) src(%arg8 : memref<64x128xf32, #tpu.memory_space<vmem>>) dst(%dma_wait3A_485 : memref<64x128xf32, #tpu.memory_space<hbm>>)
      %add3A_486 = arith.constant 2 : i32
      %add3A_487 = arith.addi %mul3A_268, %add3A_486 : i32
      %add3A_488 = arith.constant 10 : i32
      %add3A_489 = arith.addi %add3A_487, %add3A_488 : i32
      %dma_start3A_490 = arith.constant 0 : i32
      %dma_start3A_491 = tpu.memref_slice %arg5[%add3A_489, %dma_start3A_490] : memref<100x64xi32, #tpu.memory_space<vmem>> -> memref<1x64xi32, #tpu.memory_space<vmem>>
      %dma_start3A_492 = tpu.memref_squeeze %dma_start3A_491 : memref<1x64xi32, #tpu.memory_space<vmem>> -> memref<64xi32, #tpu.memory_space<vmem>>
      %dma_start3A_493 = arith.constant 0 : i32
      %dma_start3A_494 = arith.constant 0 : i32
      %dma_start3A_495 = tpu.memref_slice %arg2[%dma_start3A_493, %dma_start3A_494] : memref<100000x128xf32, #tpu.memory_space<hbm>> -> memref<100000x128xf32, #tpu.memory_space<hbm>>
      tpu.enqueue_indirect_dma source(%dma_start3A_495 : memref<100000x128xf32, #tpu.memory_space<hbm>>) target(%arg8 : memref<64x128xf32, #tpu.memory_space<vmem>>) offsets(%dma_start3A_492 : memref<64xi32, #tpu.memory_space<vmem>>) semaphore(%arg18 : memref<!tpu.dma_semaphore, #tpu.memory_space<semaphore_mem>>)
      %add3A_496 = arith.constant 3 : i32
      %add3A_497 = arith.addi %mul3A_268, %add3A_496 : i32
      %mul3A_498 = arith.constant 64 : i32
      %mul3A_499 = arith.muli %add3A_497, %mul3A_498 : i32
      %add3A_500 = arith.addi %mul3A_2, %mul3A_499 : i32
      %dma_wait3A_501 = arith.constant 0 : i32
      %dma_wait3A_502 = tpu.memref_slice %arg4[%add3A_500, %dma_wait3A_501] : memref<204800x128xf32, #tpu.memory_space<hbm>> -> memref<64x128xf32, #tpu.memory_space<hbm>>
      %dma_wait3A_503 = arith.constant 0 : i32
      %dma_wait3A_504 = tpu.memref_slice %arg4[%add3A_500, %dma_wait3A_503] : memref<204800x128xf32, #tpu.memory_space<hbm>> -> memref<64x128xf32, #tpu.memory_space<hbm>>
      tpu.wait_dma2 semaphore(%arg29 : memref<!tpu.dma_semaphore, #tpu.memory_space<semaphore_mem>>) src(%arg9 : memref<64x128xf32, #tpu.memory_space<vmem>>) dst(%dma_wait3A_504 : memref<64x128xf32, #tpu.memory_space<hbm>>)
      %add3A_505 = arith.constant 3 : i32
      %add3A_506 = arith.addi %mul3A_268, %add3A_505 : i32
      %add3A_507 = arith.constant 10 : i32
      %add3A_508 = arith.addi %add3A_506, %add3A_507 : i32
      %dma_start3A_509 = arith.constant 0 : i32
      %dma_start3A_510 = tpu.memref_slice %arg5[%add3A_508, %dma_start3A_509] : memref<100x64xi32, #tpu.memory_space<vmem>> -> memref<1x64xi32, #tpu.memory_space<vmem>>
      %dma_start3A_511 = tpu.memref_squeeze %dma_start3A_510 : memref<1x64xi32, #tpu.memory_space<vmem>> -> memref<64xi32, #tpu.memory_space<vmem>>
      %dma_start3A_512 = arith.constant 0 : i32
      %dma_start3A_513 = arith.constant 0 : i32
      %dma_start3A_514 = tpu.memref_slice %arg2[%dma_start3A_512, %dma_start3A_513] : memref<100000x128xf32, #tpu.memory_space<hbm>> -> memref<100000x128xf32, #tpu.memory_space<hbm>>
      tpu.enqueue_indirect_dma source(%dma_start3A_514 : memref<100000x128xf32, #tpu.memory_space<hbm>>) target(%arg9 : memref<64x128xf32, #tpu.memory_space<vmem>>) offsets(%dma_start3A_511 : memref<64xi32, #tpu.memory_space<vmem>>) semaphore(%arg19 : memref<!tpu.dma_semaphore, #tpu.memory_space<semaphore_mem>>)
      %add3A_515 = arith.constant 4 : i32
      %add3A_516 = arith.addi %mul3A_268, %add3A_515 : i32
      %mul3A_517 = arith.constant 64 : i32
      %mul3A_518 = arith.muli %add3A_516, %mul3A_517 : i32
      %add3A_519 = arith.addi %mul3A_2, %mul3A_518 : i32
      %dma_wait3A_520 = arith.constant 0 : i32
      %dma_wait3A_521 = tpu.memref_slice %arg4[%add3A_519, %dma_wait3A_520] : memref<204800x128xf32, #tpu.memory_space<hbm>> -> memref<64x128xf32, #tpu.memory_space<hbm>>
      %dma_wait3A_522 = arith.constant 0 : i32
      %dma_wait3A_523 = tpu.memref_slice %arg4[%add3A_519, %dma_wait3A_522] : memref<204800x128xf32, #tpu.memory_space<hbm>> -> memref<64x128xf32, #tpu.memory_space<hbm>>
      tpu.wait_dma2 semaphore(%arg30 : memref<!tpu.dma_semaphore, #tpu.memory_space<semaphore_mem>>) src(%arg10 : memref<64x128xf32, #tpu.memory_space<vmem>>) dst(%dma_wait3A_523 : memref<64x128xf32, #tpu.memory_space<hbm>>)
      %add3A_524 = arith.constant 4 : i32
      %add3A_525 = arith.addi %mul3A_268, %add3A_524 : i32
      %add3A_526 = arith.constant 10 : i32
      %add3A_527 = arith.addi %add3A_525, %add3A_526 : i32
      %dma_start3A_528 = arith.constant 0 : i32
      %dma_start3A_529 = tpu.memref_slice %arg5[%add3A_527, %dma_start3A_528] : memref<100x64xi32, #tpu.memory_space<vmem>> -> memref<1x64xi32, #tpu.memory_space<vmem>>
      %dma_start3A_530 = tpu.memref_squeeze %dma_start3A_529 : memref<1x64xi32, #tpu.memory_space<vmem>> -> memref<64xi32, #tpu.memory_space<vmem>>
      %dma_start3A_531 = arith.constant 0 : i32
      %dma_start3A_532 = arith.constant 0 : i32
      %dma_start3A_533 = tpu.memref_slice %arg2[%dma_start3A_531, %dma_start3A_532] : memref<100000x128xf32, #tpu.memory_space<hbm>> -> memref<100000x128xf32, #tpu.memory_space<hbm>>
      tpu.enqueue_indirect_dma source(%dma_start3A_533 : memref<100000x128xf32, #tpu.memory_space<hbm>>) target(%arg10 : memref<64x128xf32, #tpu.memory_space<vmem>>) offsets(%dma_start3A_530 : memref<64xi32, #tpu.memory_space<vmem>>) semaphore(%arg20 : memref<!tpu.dma_semaphore, #tpu.memory_space<semaphore_mem>>)
      %add3A_534 = arith.constant 5 : i32
      %add3A_535 = arith.addi %mul3A_268, %add3A_534 : i32
      %mul3A_536 = arith.constant 64 : i32
      %mul3A_537 = arith.muli %add3A_535, %mul3A_536 : i32
      %add3A_538 = arith.addi %mul3A_2, %mul3A_537 : i32
      %dma_wait3A_539 = arith.constant 0 : i32
      %dma_wait3A_540 = tpu.memref_slice %arg4[%add3A_538, %dma_wait3A_539] : memref<204800x128xf32, #tpu.memory_space<hbm>> -> memref<64x128xf32, #tpu.memory_space<hbm>>
      %dma_wait3A_541 = arith.constant 0 : i32
      %dma_wait3A_542 = tpu.memref_slice %arg4[%add3A_538, %dma_wait3A_541] : memref<204800x128xf32, #tpu.memory_space<hbm>> -> memref<64x128xf32, #tpu.memory_space<hbm>>
      tpu.wait_dma2 semaphore(%arg31 : memref<!tpu.dma_semaphore, #tpu.memory_space<semaphore_mem>>) src(%arg11 : memref<64x128xf32, #tpu.memory_space<vmem>>) dst(%dma_wait3A_542 : memref<64x128xf32, #tpu.memory_space<hbm>>)
      %add3A_543 = arith.constant 5 : i32
      %add3A_544 = arith.addi %mul3A_268, %add3A_543 : i32
      %add3A_545 = arith.constant 10 : i32
      %add3A_546 = arith.addi %add3A_544, %add3A_545 : i32
      %dma_start3A_547 = arith.constant 0 : i32
      %dma_start3A_548 = tpu.memref_slice %arg5[%add3A_546, %dma_start3A_547] : memref<100x64xi32, #tpu.memory_space<vmem>> -> memref<1x64xi32, #tpu.memory_space<vmem>>
      %dma_start3A_549 = tpu.memref_squeeze %dma_start3A_548 : memref<1x64xi32, #tpu.memory_space<vmem>> -> memref<64xi32, #tpu.memory_space<vmem>>
      %dma_start3A_550 = arith.constant 0 : i32
      %dma_start3A_551 = arith.constant 0 : i32
      %dma_start3A_552 = tpu.memref_slice %arg2[%dma_start3A_550, %dma_start3A_551] : memref<100000x128xf32, #tpu.memory_space<hbm>> -> memref<100000x128xf32, #tpu.memory_space<hbm>>
      tpu.enqueue_indirect_dma source(%dma_start3A_552 : memref<100000x128xf32, #tpu.memory_space<hbm>>) target(%arg11 : memref<64x128xf32, #tpu.memory_space<vmem>>) offsets(%dma_start3A_549 : memref<64xi32, #tpu.memory_space<vmem>>) semaphore(%arg21 : memref<!tpu.dma_semaphore, #tpu.memory_space<semaphore_mem>>)
      %add3A_553 = arith.constant 6 : i32
      %add3A_554 = arith.addi %mul3A_268, %add3A_553 : i32
      %mul3A_555 = arith.constant 64 : i32
      %mul3A_556 = arith.muli %add3A_554, %mul3A_555 : i32
      %add3A_557 = arith.addi %mul3A_2, %mul3A_556 : i32
      %dma_wait3A_558 = arith.constant 0 : i32
      %dma_wait3A_559 = tpu.memref_slice %arg4[%add3A_557, %dma_wait3A_558] : memref<204800x128xf32, #tpu.memory_space<hbm>> -> memref<64x128xf32, #tpu.memory_space<hbm>>
      %dma_wait3A_560 = arith.constant 0 : i32
      %dma_wait3A_561 = tpu.memref_slice %arg4[%add3A_557, %dma_wait3A_560] : memref<204800x128xf32, #tpu.memory_space<hbm>> -> memref<64x128xf32, #tpu.memory_space<hbm>>
      tpu.wait_dma2 semaphore(%arg32 : memref<!tpu.dma_semaphore, #tpu.memory_space<semaphore_mem>>) src(%arg12 : memref<64x128xf32, #tpu.memory_space<vmem>>) dst(%dma_wait3A_561 : memref<64x128xf32, #tpu.memory_space<hbm>>)
      %add3A_562 = arith.constant 6 : i32
      %add3A_563 = arith.addi %mul3A_268, %add3A_562 : i32
      %add3A_564 = arith.constant 10 : i32
      %add3A_565 = arith.addi %add3A_563, %add3A_564 : i32
      %dma_start3A_566 = arith.constant 0 : i32
      %dma_start3A_567 = tpu.memref_slice %arg5[%add3A_565, %dma_start3A_566] : memref<100x64xi32, #tpu.memory_space<vmem>> -> memref<1x64xi32, #tpu.memory_space<vmem>>
      %dma_start3A_568 = tpu.memref_squeeze %dma_start3A_567 : memref<1x64xi32, #tpu.memory_space<vmem>> -> memref<64xi32, #tpu.memory_space<vmem>>
      %dma_start3A_569 = arith.constant 0 : i32
      %dma_start3A_570 = arith.constant 0 : i32
      %dma_start3A_571 = tpu.memref_slice %arg2[%dma_start3A_569, %dma_start3A_570] : memref<100000x128xf32, #tpu.memory_space<hbm>> -> memref<100000x128xf32, #tpu.memory_space<hbm>>
      tpu.enqueue_indirect_dma source(%dma_start3A_571 : memref<100000x128xf32, #tpu.memory_space<hbm>>) target(%arg12 : memref<64x128xf32, #tpu.memory_space<vmem>>) offsets(%dma_start3A_568 : memref<64xi32, #tpu.memory_space<vmem>>) semaphore(%arg22 : memref<!tpu.dma_semaphore, #tpu.memory_space<semaphore_mem>>)
      %add3A_572 = arith.constant 7 : i32
      %add3A_573 = arith.addi %mul3A_268, %add3A_572 : i32
      %mul3A_574 = arith.constant 64 : i32
      %mul3A_575 = arith.muli %add3A_573, %mul3A_574 : i32
      %add3A_576 = arith.addi %mul3A_2, %mul3A_575 : i32
      %dma_wait3A_577 = arith.constant 0 : i32
      %dma_wait3A_578 = tpu.memref_slice %arg4[%add3A_576, %dma_wait3A_577] : memref<204800x128xf32, #tpu.memory_space<hbm>> -> memref<64x128xf32, #tpu.memory_space<hbm>>
      %dma_wait3A_579 = arith.constant 0 : i32
      %dma_wait3A_580 = tpu.memref_slice %arg4[%add3A_576, %dma_wait3A_579] : memref<204800x128xf32, #tpu.memory_space<hbm>> -> memref<64x128xf32, #tpu.memory_space<hbm>>
      tpu.wait_dma2 semaphore(%arg33 : memref<!tpu.dma_semaphore, #tpu.memory_space<semaphore_mem>>) src(%arg13 : memref<64x128xf32, #tpu.memory_space<vmem>>) dst(%dma_wait3A_580 : memref<64x128xf32, #tpu.memory_space<hbm>>)
      %add3A_581 = arith.constant 7 : i32
      %add3A_582 = arith.addi %mul3A_268, %add3A_581 : i32
      %add3A_583 = arith.constant 10 : i32
      %add3A_584 = arith.addi %add3A_582, %add3A_583 : i32
      %dma_start3A_585 = arith.constant 0 : i32
      %dma_start3A_586 = tpu.memref_slice %arg5[%add3A_584, %dma_start3A_585] : memref<100x64xi32, #tpu.memory_space<vmem>> -> memref<1x64xi32, #tpu.memory_space<vmem>>
      %dma_start3A_587 = tpu.memref_squeeze %dma_start3A_586 : memref<1x64xi32, #tpu.memory_space<vmem>> -> memref<64xi32, #tpu.memory_space<vmem>>
      %dma_start3A_588 = arith.constant 0 : i32
      %dma_start3A_589 = arith.constant 0 : i32
      %dma_start3A_590 = tpu.memref_slice %arg2[%dma_start3A_588, %dma_start3A_589] : memref<100000x128xf32, #tpu.memory_space<hbm>> -> memref<100000x128xf32, #tpu.memory_space<hbm>>
      tpu.enqueue_indirect_dma source(%dma_start3A_590 : memref<100000x128xf32, #tpu.memory_space<hbm>>) target(%arg13 : memref<64x128xf32, #tpu.memory_space<vmem>>) offsets(%dma_start3A_587 : memref<64xi32, #tpu.memory_space<vmem>>) semaphore(%arg23 : memref<!tpu.dma_semaphore, #tpu.memory_space<semaphore_mem>>)
      %add3A_591 = arith.constant 8 : i32
      %add3A_592 = arith.addi %mul3A_268, %add3A_591 : i32
      %mul3A_593 = arith.constant 64 : i32
      %mul3A_594 = arith.muli %add3A_592, %mul3A_593 : i32
      %add3A_595 = arith.addi %mul3A_2, %mul3A_594 : i32
      %dma_wait3A_596 = arith.constant 0 : i32
      %dma_wait3A_597 = tpu.memref_slice %arg4[%add3A_595, %dma_wait3A_596] : memref<204800x128xf32, #tpu.memory_space<hbm>> -> memref<64x128xf32, #tpu.memory_space<hbm>>
      %dma_wait3A_598 = arith.constant 0 : i32
      %dma_wait3A_599 = tpu.memref_slice %arg4[%add3A_595, %dma_wait3A_598] : memref<204800x128xf32, #tpu.memory_space<hbm>> -> memref<64x128xf32, #tpu.memory_space<hbm>>
      tpu.wait_dma2 semaphore(%arg34 : memref<!tpu.dma_semaphore, #tpu.memory_space<semaphore_mem>>) src(%arg14 : memref<64x128xf32, #tpu.memory_space<vmem>>) dst(%dma_wait3A_599 : memref<64x128xf32, #tpu.memory_space<hbm>>)
      %add3A_600 = arith.constant 8 : i32
      %add3A_601 = arith.addi %mul3A_268, %add3A_600 : i32
      %add3A_602 = arith.constant 10 : i32
      %add3A_603 = arith.addi %add3A_601, %add3A_602 : i32
      %dma_start3A_604 = arith.constant 0 : i32
      %dma_start3A_605 = tpu.memref_slice %arg5[%add3A_603, %dma_start3A_604] : memref<100x64xi32, #tpu.memory_space<vmem>> -> memref<1x64xi32, #tpu.memory_space<vmem>>
      %dma_start3A_606 = tpu.memref_squeeze %dma_start3A_605 : memref<1x64xi32, #tpu.memory_space<vmem>> -> memref<64xi32, #tpu.memory_space<vmem>>
      %dma_start3A_607 = arith.constant 0 : i32
      %dma_start3A_608 = arith.constant 0 : i32
      %dma_start3A_609 = tpu.memref_slice %arg2[%dma_start3A_607, %dma_start3A_608] : memref<100000x128xf32, #tpu.memory_space<hbm>> -> memref<100000x128xf32, #tpu.memory_space<hbm>>
      tpu.enqueue_indirect_dma source(%dma_start3A_609 : memref<100000x128xf32, #tpu.memory_space<hbm>>) target(%arg14 : memref<64x128xf32, #tpu.memory_space<vmem>>) offsets(%dma_start3A_606 : memref<64xi32, #tpu.memory_space<vmem>>) semaphore(%arg24 : memref<!tpu.dma_semaphore, #tpu.memory_space<semaphore_mem>>)
      %add3A_610 = arith.constant 9 : i32
      %add3A_611 = arith.addi %mul3A_268, %add3A_610 : i32
      %mul3A_612 = arith.constant 64 : i32
      %mul3A_613 = arith.muli %add3A_611, %mul3A_612 : i32
      %add3A_614 = arith.addi %mul3A_2, %mul3A_613 : i32
      %dma_wait3A_615 = arith.constant 0 : i32
      %dma_wait3A_616 = tpu.memref_slice %arg4[%add3A_614, %dma_wait3A_615] : memref<204800x128xf32, #tpu.memory_space<hbm>> -> memref<64x128xf32, #tpu.memory_space<hbm>>
      %dma_wait3A_617 = arith.constant 0 : i32
      %dma_wait3A_618 = tpu.memref_slice %arg4[%add3A_614, %dma_wait3A_617] : memref<204800x128xf32, #tpu.memory_space<hbm>> -> memref<64x128xf32, #tpu.memory_space<hbm>>
      tpu.wait_dma2 semaphore(%arg35 : memref<!tpu.dma_semaphore, #tpu.memory_space<semaphore_mem>>) src(%arg15 : memref<64x128xf32, #tpu.memory_space<vmem>>) dst(%dma_wait3A_618 : memref<64x128xf32, #tpu.memory_space<hbm>>)
      %add3A_619 = arith.constant 9 : i32
      %add3A_620 = arith.addi %mul3A_268, %add3A_619 : i32
      %add3A_621 = arith.constant 10 : i32
      %add3A_622 = arith.addi %add3A_620, %add3A_621 : i32
      %dma_start3A_623 = arith.constant 0 : i32
      %dma_start3A_624 = tpu.memref_slice %arg5[%add3A_622, %dma_start3A_623] : memref<100x64xi32, #tpu.memory_space<vmem>> -> memref<1x64xi32, #tpu.memory_space<vmem>>
      %dma_start3A_625 = tpu.memref_squeeze %dma_start3A_624 : memref<1x64xi32, #tpu.memory_space<vmem>> -> memref<64xi32, #tpu.memory_space<vmem>>
      %dma_start3A_626 = arith.constant 0 : i32
      %dma_start3A_627 = arith.constant 0 : i32
      %dma_start3A_628 = tpu.memref_slice %arg2[%dma_start3A_626, %dma_start3A_627] : memref<100000x128xf32, #tpu.memory_space<hbm>> -> memref<100000x128xf32, #tpu.memory_space<hbm>>
      tpu.enqueue_indirect_dma source(%dma_start3A_628 : memref<100000x128xf32, #tpu.memory_space<hbm>>) target(%arg15 : memref<64x128xf32, #tpu.memory_space<vmem>>) offsets(%dma_start3A_625 : memref<64xi32, #tpu.memory_space<vmem>>) semaphore(%arg25 : memref<!tpu.dma_semaphore, #tpu.memory_space<semaphore_mem>>)
    }
    %scan3A_76 = arith.constant 9 : i32
    %dma_wait3A = arith.constant 90 : i32
    %dma_wait3A_77 = arith.constant 0 : i32
    %dma_wait3A_78 = tpu.memref_slice %arg5[%dma_wait3A, %dma_wait3A_77] : memref<100x64xi32, #tpu.memory_space<vmem>> -> memref<1x64xi32, #tpu.memory_space<vmem>>
    %dma_wait3A_79 = tpu.memref_squeeze %dma_wait3A_78 : memref<1x64xi32, #tpu.memory_space<vmem>> -> memref<64xi32, #tpu.memory_space<vmem>>
    %dma_wait3A_80 = arith.constant 0 : i32
    %dma_wait3A_81 = arith.constant 0 : i32
    %dma_wait3A_82 = tpu.memref_slice %arg2[%dma_wait3A_80, %dma_wait3A_81] : memref<100000x128xf32, #tpu.memory_space<hbm>> -> memref<100000x128xf32, #tpu.memory_space<hbm>>
    tpu.wait_indirect_dma semaphore(%arg16 : memref<!tpu.dma_semaphore, #tpu.memory_space<semaphore_mem>>) src(%dma_wait3A_82 : memref<100000x128xf32, #tpu.memory_space<hbm>>) dst(%arg6 : memref<64x128xf32, #tpu.memory_space<vmem>>)
    %add3A_83 = arith.constant 5760 : i32
    %add3A_84 = arith.addi %mul3A_2, %add3A_83 : i32
    %dma_start3A_85 = arith.constant 0 : i32
    %dma_start3A_86 = tpu.memref_slice %arg4[%add3A_84, %dma_start3A_85] : memref<204800x128xf32, #tpu.memory_space<hbm>> -> memref<64x128xf32, #tpu.memory_space<hbm>>
    %dma_start3A_87 = arith.constant 0 : i32
    %dma_start3A_88 = tpu.memref_slice %arg4[%add3A_84, %dma_start3A_87] : memref<204800x128xf32, #tpu.memory_space<hbm>> -> memref<64x128xf32, #tpu.memory_space<hbm>>
    tpu.enqueue_dma source(%arg6 : memref<64x128xf32, #tpu.memory_space<vmem>>) target(%dma_start3A_88 : memref<64x128xf32, #tpu.memory_space<hbm>>) target_semaphore(%arg26 : memref<!tpu.dma_semaphore, #tpu.memory_space<semaphore_mem>>)
    %dma_wait3A_89 = arith.constant 91 : i32
    %dma_wait3A_90 = arith.constant 0 : i32
    %dma_wait3A_91 = tpu.memref_slice %arg5[%dma_wait3A_89, %dma_wait3A_90] : memref<100x64xi32, #tpu.memory_space<vmem>> -> memref<1x64xi32, #tpu.memory_space<vmem>>
    %dma_wait3A_92 = tpu.memref_squeeze %dma_wait3A_91 : memref<1x64xi32, #tpu.memory_space<vmem>> -> memref<64xi32, #tpu.memory_space<vmem>>
    %dma_wait3A_93 = arith.constant 0 : i32
    %dma_wait3A_94 = arith.constant 0 : i32
    %dma_wait3A_95 = tpu.memref_slice %arg2[%dma_wait3A_93, %dma_wait3A_94] : memref<100000x128xf32, #tpu.memory_space<hbm>> -> memref<100000x128xf32, #tpu.memory_space<hbm>>
    tpu.wait_indirect_dma semaphore(%arg17 : memref<!tpu.dma_semaphore, #tpu.memory_space<semaphore_mem>>) src(%dma_wait3A_95 : memref<100000x128xf32, #tpu.memory_space<hbm>>) dst(%arg7 : memref<64x128xf32, #tpu.memory_space<vmem>>)
    %add3A_96 = arith.constant 5824 : i32
    %add3A_97 = arith.addi %mul3A_2, %add3A_96 : i32
    %dma_start3A_98 = arith.constant 0 : i32
    %dma_start3A_99 = tpu.memref_slice %arg4[%add3A_97, %dma_start3A_98] : memref<204800x128xf32, #tpu.memory_space<hbm>> -> memref<64x128xf32, #tpu.memory_space<hbm>>
    %dma_start3A_100 = arith.constant 0 : i32
    %dma_start3A_101 = tpu.memref_slice %arg4[%add3A_97, %dma_start3A_100] : memref<204800x128xf32, #tpu.memory_space<hbm>> -> memref<64x128xf32, #tpu.memory_space<hbm>>
    tpu.enqueue_dma source(%arg7 : memref<64x128xf32, #tpu.memory_space<vmem>>) target(%dma_start3A_101 : memref<64x128xf32, #tpu.memory_space<hbm>>) target_semaphore(%arg27 : memref<!tpu.dma_semaphore, #tpu.memory_space<semaphore_mem>>)
    %dma_wait3A_102 = arith.constant 92 : i32
    %dma_wait3A_103 = arith.constant 0 : i32
    %dma_wait3A_104 = tpu.memref_slice %arg5[%dma_wait3A_102, %dma_wait3A_103] : memref<100x64xi32, #tpu.memory_space<vmem>> -> memref<1x64xi32, #tpu.memory_space<vmem>>
    %dma_wait3A_105 = tpu.memref_squeeze %dma_wait3A_104 : memref<1x64xi32, #tpu.memory_space<vmem>> -> memref<64xi32, #tpu.memory_space<vmem>>
    %dma_wait3A_106 = arith.constant 0 : i32
    %dma_wait3A_107 = arith.constant 0 : i32
    %dma_wait3A_108 = tpu.memref_slice %arg2[%dma_wait3A_106, %dma_wait3A_107] : memref<100000x128xf32, #tpu.memory_space<hbm>> -> memref<100000x128xf32, #tpu.memory_space<hbm>>
    tpu.wait_indirect_dma semaphore(%arg18 : memref<!tpu.dma_semaphore, #tpu.memory_space<semaphore_mem>>) src(%dma_wait3A_108 : memref<100000x128xf32, #tpu.memory_space<hbm>>) dst(%arg8 : memref<64x128xf32, #tpu.memory_space<vmem>>)
    %add3A_109 = arith.constant 5888 : i32
    %add3A_110 = arith.addi %mul3A_2, %add3A_109 : i32
    %dma_start3A_111 = arith.constant 0 : i32
    %dma_start3A_112 = tpu.memref_slice %arg4[%add3A_110, %dma_start3A_111] : memref<204800x128xf32, #tpu.memory_space<hbm>> -> memref<64x128xf32, #tpu.memory_space<hbm>>
    %dma_start3A_113 = arith.constant 0 : i32
    %dma_start3A_114 = tpu.memref_slice %arg4[%add3A_110, %dma_start3A_113] : memref<204800x128xf32, #tpu.memory_space<hbm>> -> memref<64x128xf32, #tpu.memory_space<hbm>>
    tpu.enqueue_dma source(%arg8 : memref<64x128xf32, #tpu.memory_space<vmem>>) target(%dma_start3A_114 : memref<64x128xf32, #tpu.memory_space<hbm>>) target_semaphore(%arg28 : memref<!tpu.dma_semaphore, #tpu.memory_space<semaphore_mem>>)
    %dma_wait3A_115 = arith.constant 93 : i32
    %dma_wait3A_116 = arith.constant 0 : i32
    %dma_wait3A_117 = tpu.memref_slice %arg5[%dma_wait3A_115, %dma_wait3A_116] : memref<100x64xi32, #tpu.memory_space<vmem>> -> memref<1x64xi32, #tpu.memory_space<vmem>>
    %dma_wait3A_118 = tpu.memref_squeeze %dma_wait3A_117 : memref<1x64xi32, #tpu.memory_space<vmem>> -> memref<64xi32, #tpu.memory_space<vmem>>
    %dma_wait3A_119 = arith.constant 0 : i32
    %dma_wait3A_120 = arith.constant 0 : i32
    %dma_wait3A_121 = tpu.memref_slice %arg2[%dma_wait3A_119, %dma_wait3A_120] : memref<100000x128xf32, #tpu.memory_space<hbm>> -> memref<100000x128xf32, #tpu.memory_space<hbm>>
    tpu.wait_indirect_dma semaphore(%arg19 : memref<!tpu.dma_semaphore, #tpu.memory_space<semaphore_mem>>) src(%dma_wait3A_121 : memref<100000x128xf32, #tpu.memory_space<hbm>>) dst(%arg9 : memref<64x128xf32, #tpu.memory_space<vmem>>)
    %add3A_122 = arith.constant 5952 : i32
    %add3A_123 = arith.addi %mul3A_2, %add3A_122 : i32
    %dma_start3A_124 = arith.constant 0 : i32
    %dma_start3A_125 = tpu.memref_slice %arg4[%add3A_123, %dma_start3A_124] : memref<204800x128xf32, #tpu.memory_space<hbm>> -> memref<64x128xf32, #tpu.memory_space<hbm>>
    %dma_start3A_126 = arith.constant 0 : i32
    %dma_start3A_127 = tpu.memref_slice %arg4[%add3A_123, %dma_start3A_126] : memref<204800x128xf32, #tpu.memory_space<hbm>> -> memref<64x128xf32, #tpu.memory_space<hbm>>
    tpu.enqueue_dma source(%arg9 : memref<64x128xf32, #tpu.memory_space<vmem>>) target(%dma_start3A_127 : memref<64x128xf32, #tpu.memory_space<hbm>>) target_semaphore(%arg29 : memref<!tpu.dma_semaphore, #tpu.memory_space<semaphore_mem>>)
    %dma_wait3A_128 = arith.constant 94 : i32
    %dma_wait3A_129 = arith.constant 0 : i32
    %dma_wait3A_130 = tpu.memref_slice %arg5[%dma_wait3A_128, %dma_wait3A_129] : memref<100x64xi32, #tpu.memory_space<vmem>> -> memref<1x64xi32, #tpu.memory_space<vmem>>
    %dma_wait3A_131 = tpu.memref_squeeze %dma_wait3A_130 : memref<1x64xi32, #tpu.memory_space<vmem>> -> memref<64xi32, #tpu.memory_space<vmem>>
    %dma_wait3A_132 = arith.constant 0 : i32
    %dma_wait3A_133 = arith.constant 0 : i32
    %dma_wait3A_134 = tpu.memref_slice %arg2[%dma_wait3A_132, %dma_wait3A_133] : memref<100000x128xf32, #tpu.memory_space<hbm>> -> memref<100000x128xf32, #tpu.memory_space<hbm>>
    tpu.wait_indirect_dma semaphore(%arg20 : memref<!tpu.dma_semaphore, #tpu.memory_space<semaphore_mem>>) src(%dma_wait3A_134 : memref<100000x128xf32, #tpu.memory_space<hbm>>) dst(%arg10 : memref<64x128xf32, #tpu.memory_space<vmem>>)
    %add3A_135 = arith.constant 6016 : i32
    %add3A_136 = arith.addi %mul3A_2, %add3A_135 : i32
    %dma_start3A_137 = arith.constant 0 : i32
    %dma_start3A_138 = tpu.memref_slice %arg4[%add3A_136, %dma_start3A_137] : memref<204800x128xf32, #tpu.memory_space<hbm>> -> memref<64x128xf32, #tpu.memory_space<hbm>>
    %dma_start3A_139 = arith.constant 0 : i32
    %dma_start3A_140 = tpu.memref_slice %arg4[%add3A_136, %dma_start3A_139] : memref<204800x128xf32, #tpu.memory_space<hbm>> -> memref<64x128xf32, #tpu.memory_space<hbm>>
    tpu.enqueue_dma source(%arg10 : memref<64x128xf32, #tpu.memory_space<vmem>>) target(%dma_start3A_140 : memref<64x128xf32, #tpu.memory_space<hbm>>) target_semaphore(%arg30 : memref<!tpu.dma_semaphore, #tpu.memory_space<semaphore_mem>>)
    %dma_wait3A_141 = arith.constant 95 : i32
    %dma_wait3A_142 = arith.constant 0 : i32
    %dma_wait3A_143 = tpu.memref_slice %arg5[%dma_wait3A_141, %dma_wait3A_142] : memref<100x64xi32, #tpu.memory_space<vmem>> -> memref<1x64xi32, #tpu.memory_space<vmem>>
    %dma_wait3A_144 = tpu.memref_squeeze %dma_wait3A_143 : memref<1x64xi32, #tpu.memory_space<vmem>> -> memref<64xi32, #tpu.memory_space<vmem>>
    %dma_wait3A_145 = arith.constant 0 : i32
    %dma_wait3A_146 = arith.constant 0 : i32
    %dma_wait3A_147 = tpu.memref_slice %arg2[%dma_wait3A_145, %dma_wait3A_146] : memref<100000x128xf32, #tpu.memory_space<hbm>> -> memref<100000x128xf32, #tpu.memory_space<hbm>>
    tpu.wait_indirect_dma semaphore(%arg21 : memref<!tpu.dma_semaphore, #tpu.memory_space<semaphore_mem>>) src(%dma_wait3A_147 : memref<100000x128xf32, #tpu.memory_space<hbm>>) dst(%arg11 : memref<64x128xf32, #tpu.memory_space<vmem>>)
    %add3A_148 = arith.constant 6080 : i32
    %add3A_149 = arith.addi %mul3A_2, %add3A_148 : i32
    %dma_start3A_150 = arith.constant 0 : i32
    %dma_start3A_151 = tpu.memref_slice %arg4[%add3A_149, %dma_start3A_150] : memref<204800x128xf32, #tpu.memory_space<hbm>> -> memref<64x128xf32, #tpu.memory_space<hbm>>
    %dma_start3A_152 = arith.constant 0 : i32
    %dma_start3A_153 = tpu.memref_slice %arg4[%add3A_149, %dma_start3A_152] : memref<204800x128xf32, #tpu.memory_space<hbm>> -> memref<64x128xf32, #tpu.memory_space<hbm>>
    tpu.enqueue_dma source(%arg11 : memref<64x128xf32, #tpu.memory_space<vmem>>) target(%dma_start3A_153 : memref<64x128xf32, #tpu.memory_space<hbm>>) target_semaphore(%arg31 : memref<!tpu.dma_semaphore, #tpu.memory_space<semaphore_mem>>)
    %dma_wait3A_154 = arith.constant 96 : i32
    %dma_wait3A_155 = arith.constant 0 : i32
    %dma_wait3A_156 = tpu.memref_slice %arg5[%dma_wait3A_154, %dma_wait3A_155] : memref<100x64xi32, #tpu.memory_space<vmem>> -> memref<1x64xi32, #tpu.memory_space<vmem>>
    %dma_wait3A_157 = tpu.memref_squeeze %dma_wait3A_156 : memref<1x64xi32, #tpu.memory_space<vmem>> -> memref<64xi32, #tpu.memory_space<vmem>>
    %dma_wait3A_158 = arith.constant 0 : i32
    %dma_wait3A_159 = arith.constant 0 : i32
    %dma_wait3A_160 = tpu.memref_slice %arg2[%dma_wait3A_158, %dma_wait3A_159] : memref<100000x128xf32, #tpu.memory_space<hbm>> -> memref<100000x128xf32, #tpu.memory_space<hbm>>
    tpu.wait_indirect_dma semaphore(%arg22 : memref<!tpu.dma_semaphore, #tpu.memory_space<semaphore_mem>>) src(%dma_wait3A_160 : memref<100000x128xf32, #tpu.memory_space<hbm>>) dst(%arg12 : memref<64x128xf32, #tpu.memory_space<vmem>>)
    %add3A_161 = arith.constant 6144 : i32
    %add3A_162 = arith.addi %mul3A_2, %add3A_161 : i32
    %dma_start3A_163 = arith.constant 0 : i32
    %dma_start3A_164 = tpu.memref_slice %arg4[%add3A_162, %dma_start3A_163] : memref<204800x128xf32, #tpu.memory_space<hbm>> -> memref<64x128xf32, #tpu.memory_space<hbm>>
    %dma_start3A_165 = arith.constant 0 : i32
    %dma_start3A_166 = tpu.memref_slice %arg4[%add3A_162, %dma_start3A_165] : memref<204800x128xf32, #tpu.memory_space<hbm>> -> memref<64x128xf32, #tpu.memory_space<hbm>>
    tpu.enqueue_dma source(%arg12 : memref<64x128xf32, #tpu.memory_space<vmem>>) target(%dma_start3A_166 : memref<64x128xf32, #tpu.memory_space<hbm>>) target_semaphore(%arg32 : memref<!tpu.dma_semaphore, #tpu.memory_space<semaphore_mem>>)
    %dma_wait3A_167 = arith.constant 97 : i32
    %dma_wait3A_168 = arith.constant 0 : i32
    %dma_wait3A_169 = tpu.memref_slice %arg5[%dma_wait3A_167, %dma_wait3A_168] : memref<100x64xi32, #tpu.memory_space<vmem>> -> memref<1x64xi32, #tpu.memory_space<vmem>>
    %dma_wait3A_170 = tpu.memref_squeeze %dma_wait3A_169 : memref<1x64xi32, #tpu.memory_space<vmem>> -> memref<64xi32, #tpu.memory_space<vmem>>
    %dma_wait3A_171 = arith.constant 0 : i32
    %dma_wait3A_172 = arith.constant 0 : i32
    %dma_wait3A_173 = tpu.memref_slice %arg2[%dma_wait3A_171, %dma_wait3A_172] : memref<100000x128xf32, #tpu.memory_space<hbm>> -> memref<100000x128xf32, #tpu.memory_space<hbm>>
    tpu.wait_indirect_dma semaphore(%arg23 : memref<!tpu.dma_semaphore, #tpu.memory_space<semaphore_mem>>) src(%dma_wait3A_173 : memref<100000x128xf32, #tpu.memory_space<hbm>>) dst(%arg13 : memref<64x128xf32, #tpu.memory_space<vmem>>)
    %add3A_174 = arith.constant 6208 : i32
    %add3A_175 = arith.addi %mul3A_2, %add3A_174 : i32
    %dma_start3A_176 = arith.constant 0 : i32
    %dma_start3A_177 = tpu.memref_slice %arg4[%add3A_175, %dma_start3A_176] : memref<204800x128xf32, #tpu.memory_space<hbm>> -> memref<64x128xf32, #tpu.memory_space<hbm>>
    %dma_start3A_178 = arith.constant 0 : i32
    %dma_start3A_179 = tpu.memref_slice %arg4[%add3A_175, %dma_start3A_178] : memref<204800x128xf32, #tpu.memory_space<hbm>> -> memref<64x128xf32, #tpu.memory_space<hbm>>
    tpu.enqueue_dma source(%arg13 : memref<64x128xf32, #tpu.memory_space<vmem>>) target(%dma_start3A_179 : memref<64x128xf32, #tpu.memory_space<hbm>>) target_semaphore(%arg33 : memref<!tpu.dma_semaphore, #tpu.memory_space<semaphore_mem>>)
    %dma_wait3A_180 = arith.constant 98 : i32
    %dma_wait3A_181 = arith.constant 0 : i32
    %dma_wait3A_182 = tpu.memref_slice %arg5[%dma_wait3A_180, %dma_wait3A_181] : memref<100x64xi32, #tpu.memory_space<vmem>> -> memref<1x64xi32, #tpu.memory_space<vmem>>
    %dma_wait3A_183 = tpu.memref_squeeze %dma_wait3A_182 : memref<1x64xi32, #tpu.memory_space<vmem>> -> memref<64xi32, #tpu.memory_space<vmem>>
    %dma_wait3A_184 = arith.constant 0 : i32
    %dma_wait3A_185 = arith.constant 0 : i32
    %dma_wait3A_186 = tpu.memref_slice %arg2[%dma_wait3A_184, %dma_wait3A_185] : memref<100000x128xf32, #tpu.memory_space<hbm>> -> memref<100000x128xf32, #tpu.memory_space<hbm>>
    tpu.wait_indirect_dma semaphore(%arg24 : memref<!tpu.dma_semaphore, #tpu.memory_space<semaphore_mem>>) src(%dma_wait3A_186 : memref<100000x128xf32, #tpu.memory_space<hbm>>) dst(%arg14 : memref<64x128xf32, #tpu.memory_space<vmem>>)
    %add3A_187 = arith.constant 6272 : i32
    %add3A_188 = arith.addi %mul3A_2, %add3A_187 : i32
    %dma_start3A_189 = arith.constant 0 : i32
    %dma_start3A_190 = tpu.memref_slice %arg4[%add3A_188, %dma_start3A_189] : memref<204800x128xf32, #tpu.memory_space<hbm>> -> memref<64x128xf32, #tpu.memory_space<hbm>>
    %dma_start3A_191 = arith.constant 0 : i32
    %dma_start3A_192 = tpu.memref_slice %arg4[%add3A_188, %dma_start3A_191] : memref<204800x128xf32, #tpu.memory_space<hbm>> -> memref<64x128xf32, #tpu.memory_space<hbm>>
    tpu.enqueue_dma source(%arg14 : memref<64x128xf32, #tpu.memory_space<vmem>>) target(%dma_start3A_192 : memref<64x128xf32, #tpu.memory_space<hbm>>) target_semaphore(%arg34 : memref<!tpu.dma_semaphore, #tpu.memory_space<semaphore_mem>>)
    %dma_wait3A_193 = arith.constant 99 : i32
    %dma_wait3A_194 = arith.constant 0 : i32
    %dma_wait3A_195 = tpu.memref_slice %arg5[%dma_wait3A_193, %dma_wait3A_194] : memref<100x64xi32, #tpu.memory_space<vmem>> -> memref<1x64xi32, #tpu.memory_space<vmem>>
    %dma_wait3A_196 = tpu.memref_squeeze %dma_wait3A_195 : memref<1x64xi32, #tpu.memory_space<vmem>> -> memref<64xi32, #tpu.memory_space<vmem>>
    %dma_wait3A_197 = arith.constant 0 : i32
    %dma_wait3A_198 = arith.constant 0 : i32
    %dma_wait3A_199 = tpu.memref_slice %arg2[%dma_wait3A_197, %dma_wait3A_198] : memref<100000x128xf32, #tpu.memory_space<hbm>> -> memref<100000x128xf32, #tpu.memory_space<hbm>>
    tpu.wait_indirect_dma semaphore(%arg25 : memref<!tpu.dma_semaphore, #tpu.memory_space<semaphore_mem>>) src(%dma_wait3A_199 : memref<100000x128xf32, #tpu.memory_space<hbm>>) dst(%arg15 : memref<64x128xf32, #tpu.memory_space<vmem>>)
    %add3A_200 = arith.constant 6336 : i32
    %add3A_201 = arith.addi %mul3A_2, %add3A_200 : i32
    %dma_start3A_202 = arith.constant 0 : i32
    %dma_start3A_203 = tpu.memref_slice %arg4[%add3A_201, %dma_start3A_202] : memref<204800x128xf32, #tpu.memory_space<hbm>> -> memref<64x128xf32, #tpu.memory_space<hbm>>
    %dma_start3A_204 = arith.constant 0 : i32
    %dma_start3A_205 = tpu.memref_slice %arg4[%add3A_201, %dma_start3A_204] : memref<204800x128xf32, #tpu.memory_space<hbm>> -> memref<64x128xf32, #tpu.memory_space<hbm>>
    tpu.enqueue_dma source(%arg15 : memref<64x128xf32, #tpu.memory_space<vmem>>) target(%dma_start3A_205 : memref<64x128xf32, #tpu.memory_space<hbm>>) target_semaphore(%arg35 : memref<!tpu.dma_semaphore, #tpu.memory_space<semaphore_mem>>)
    %add3A_206 = arith.constant 5760 : i32
    %add3A_207 = arith.addi %mul3A_2, %add3A_206 : i32
    %dma_wait3A_208 = arith.constant 0 : i32
    %dma_wait3A_209 = tpu.memref_slice %arg4[%add3A_207, %dma_wait3A_208] : memref<204800x128xf32, #tpu.memory_space<hbm>> -> memref<64x128xf32, #tpu.memory_space<hbm>>
    %dma_wait3A_210 = arith.constant 0 : i32
    %dma_wait3A_211 = tpu.memref_slice %arg4[%add3A_207, %dma_wait3A_210] : memref<204800x128xf32, #tpu.memory_space<hbm>> -> memref<64x128xf32, #tpu.memory_space<hbm>>
    tpu.wait_dma2 semaphore(%arg26 : memref<!tpu.dma_semaphore, #tpu.memory_space<semaphore_mem>>) src(%arg6 : memref<64x128xf32, #tpu.memory_space<vmem>>) dst(%dma_wait3A_211 : memref<64x128xf32, #tpu.memory_space<hbm>>)
    %add3A_212 = arith.constant 5824 : i32
    %add3A_213 = arith.addi %mul3A_2, %add3A_212 : i32
    %dma_wait3A_214 = arith.constant 0 : i32
    %dma_wait3A_215 = tpu.memref_slice %arg4[%add3A_213, %dma_wait3A_214] : memref<204800x128xf32, #tpu.memory_space<hbm>> -> memref<64x128xf32, #tpu.memory_space<hbm>>
    %dma_wait3A_216 = arith.constant 0 : i32
    %dma_wait3A_217 = tpu.memref_slice %arg4[%add3A_213, %dma_wait3A_216] : memref<204800x128xf32, #tpu.memory_space<hbm>> -> memref<64x128xf32, #tpu.memory_space<hbm>>
    tpu.wait_dma2 semaphore(%arg27 : memref<!tpu.dma_semaphore, #tpu.memory_space<semaphore_mem>>) src(%arg7 : memref<64x128xf32, #tpu.memory_space<vmem>>) dst(%dma_wait3A_217 : memref<64x128xf32, #tpu.memory_space<hbm>>)
    %add3A_218 = arith.constant 5888 : i32
    %add3A_219 = arith.addi %mul3A_2, %add3A_218 : i32
    %dma_wait3A_220 = arith.constant 0 : i32
    %dma_wait3A_221 = tpu.memref_slice %arg4[%add3A_219, %dma_wait3A_220] : memref<204800x128xf32, #tpu.memory_space<hbm>> -> memref<64x128xf32, #tpu.memory_space<hbm>>
    %dma_wait3A_222 = arith.constant 0 : i32
    %dma_wait3A_223 = tpu.memref_slice %arg4[%add3A_219, %dma_wait3A_222] : memref<204800x128xf32, #tpu.memory_space<hbm>> -> memref<64x128xf32, #tpu.memory_space<hbm>>
    tpu.wait_dma2 semaphore(%arg28 : memref<!tpu.dma_semaphore, #tpu.memory_space<semaphore_mem>>) src(%arg8 : memref<64x128xf32, #tpu.memory_space<vmem>>) dst(%dma_wait3A_223 : memref<64x128xf32, #tpu.memory_space<hbm>>)
    %add3A_224 = arith.constant 5952 : i32
    %add3A_225 = arith.addi %mul3A_2, %add3A_224 : i32
    %dma_wait3A_226 = arith.constant 0 : i32
    %dma_wait3A_227 = tpu.memref_slice %arg4[%add3A_225, %dma_wait3A_226] : memref<204800x128xf32, #tpu.memory_space<hbm>> -> memref<64x128xf32, #tpu.memory_space<hbm>>
    %dma_wait3A_228 = arith.constant 0 : i32
    %dma_wait3A_229 = tpu.memref_slice %arg4[%add3A_225, %dma_wait3A_228] : memref<204800x128xf32, #tpu.memory_space<hbm>> -> memref<64x128xf32, #tpu.memory_space<hbm>>
    tpu.wait_dma2 semaphore(%arg29 : memref<!tpu.dma_semaphore, #tpu.memory_space<semaphore_mem>>) src(%arg9 : memref<64x128xf32, #tpu.memory_space<vmem>>) dst(%dma_wait3A_229 : memref<64x128xf32, #tpu.memory_space<hbm>>)
    %add3A_230 = arith.constant 6016 : i32
    %add3A_231 = arith.addi %mul3A_2, %add3A_230 : i32
    %dma_wait3A_232 = arith.constant 0 : i32
    %dma_wait3A_233 = tpu.memref_slice %arg4[%add3A_231, %dma_wait3A_232] : memref<204800x128xf32, #tpu.memory_space<hbm>> -> memref<64x128xf32, #tpu.memory_space<hbm>>
    %dma_wait3A_234 = arith.constant 0 : i32
    %dma_wait3A_235 = tpu.memref_slice %arg4[%add3A_231, %dma_wait3A_234] : memref<204800x128xf32, #tpu.memory_space<hbm>> -> memref<64x128xf32, #tpu.memory_space<hbm>>
    tpu.wait_dma2 semaphore(%arg30 : memref<!tpu.dma_semaphore, #tpu.memory_space<semaphore_mem>>) src(%arg10 : memref<64x128xf32, #tpu.memory_space<vmem>>) dst(%dma_wait3A_235 : memref<64x128xf32, #tpu.memory_space<hbm>>)
    %add3A_236 = arith.constant 6080 : i32
    %add3A_237 = arith.addi %mul3A_2, %add3A_236 : i32
    %dma_wait3A_238 = arith.constant 0 : i32
    %dma_wait3A_239 = tpu.memref_slice %arg4[%add3A_237, %dma_wait3A_238] : memref<204800x128xf32, #tpu.memory_space<hbm>> -> memref<64x128xf32, #tpu.memory_space<hbm>>
    %dma_wait3A_240 = arith.constant 0 : i32
    %dma_wait3A_241 = tpu.memref_slice %arg4[%add3A_237, %dma_wait3A_240] : memref<204800x128xf32, #tpu.memory_space<hbm>> -> memref<64x128xf32, #tpu.memory_space<hbm>>
    tpu.wait_dma2 semaphore(%arg31 : memref<!tpu.dma_semaphore, #tpu.memory_space<semaphore_mem>>) src(%arg11 : memref<64x128xf32, #tpu.memory_space<vmem>>) dst(%dma_wait3A_241 : memref<64x128xf32, #tpu.memory_space<hbm>>)
    %add3A_242 = arith.constant 6144 : i32
    %add3A_243 = arith.addi %mul3A_2, %add3A_242 : i32
    %dma_wait3A_244 = arith.constant 0 : i32
    %dma_wait3A_245 = tpu.memref_slice %arg4[%add3A_243, %dma_wait3A_244] : memref<204800x128xf32, #tpu.memory_space<hbm>> -> memref<64x128xf32, #tpu.memory_space<hbm>>
    %dma_wait3A_246 = arith.constant 0 : i32
    %dma_wait3A_247 = tpu.memref_slice %arg4[%add3A_243, %dma_wait3A_246] : memref<204800x128xf32, #tpu.memory_space<hbm>> -> memref<64x128xf32, #tpu.memory_space<hbm>>
    tpu.wait_dma2 semaphore(%arg32 : memref<!tpu.dma_semaphore, #tpu.memory_space<semaphore_mem>>) src(%arg12 : memref<64x128xf32, #tpu.memory_space<vmem>>) dst(%dma_wait3A_247 : memref<64x128xf32, #tpu.memory_space<hbm>>)
    %add3A_248 = arith.constant 6208 : i32
    %add3A_249 = arith.addi %mul3A_2, %add3A_248 : i32
    %dma_wait3A_250 = arith.constant 0 : i32
    %dma_wait3A_251 = tpu.memref_slice %arg4[%add3A_249, %dma_wait3A_250] : memref<204800x128xf32, #tpu.memory_space<hbm>> -> memref<64x128xf32, #tpu.memory_space<hbm>>
    %dma_wait3A_252 = arith.constant 0 : i32
    %dma_wait3A_253 = tpu.memref_slice %arg4[%add3A_249, %dma_wait3A_252] : memref<204800x128xf32, #tpu.memory_space<hbm>> -> memref<64x128xf32, #tpu.memory_space<hbm>>
    tpu.wait_dma2 semaphore(%arg33 : memref<!tpu.dma_semaphore, #tpu.memory_space<semaphore_mem>>) src(%arg13 : memref<64x128xf32, #tpu.memory_space<vmem>>) dst(%dma_wait3A_253 : memref<64x128xf32, #tpu.memory_space<hbm>>)
    %add3A_254 = arith.constant 6272 : i32
    %add3A_255 = arith.addi %mul3A_2, %add3A_254 : i32
    %dma_wait3A_256 = arith.constant 0 : i32
    %dma_wait3A_257 = tpu.memref_slice %arg4[%add3A_255, %dma_wait3A_256] : memref<204800x128xf32, #tpu.memory_space<hbm>> -> memref<64x128xf32, #tpu.memory_space<hbm>>
    %dma_wait3A_258 = arith.constant 0 : i32
    %dma_wait3A_259 = tpu.memref_slice %arg4[%add3A_255, %dma_wait3A_258] : memref<204800x128xf32, #tpu.memory_space<hbm>> -> memref<64x128xf32, #tpu.memory_space<hbm>>
    tpu.wait_dma2 semaphore(%arg34 : memref<!tpu.dma_semaphore, #tpu.memory_space<semaphore_mem>>) src(%arg14 : memref<64x128xf32, #tpu.memory_space<vmem>>) dst(%dma_wait3A_259 : memref<64x128xf32, #tpu.memory_space<hbm>>)
    %add3A_260 = arith.constant 6336 : i32
    %add3A_261 = arith.addi %mul3A_2, %add3A_260 : i32
    %dma_wait3A_262 = arith.constant 0 : i32
    %dma_wait3A_263 = tpu.memref_slice %arg4[%add3A_261, %dma_wait3A_262] : memref<204800x128xf32, #tpu.memory_space<hbm>> -> memref<64x128xf32, #tpu.memory_space<hbm>>
    %dma_wait3A_264 = arith.constant 0 : i32
    %dma_wait3A_265 = tpu.memref_slice %arg4[%add3A_261, %dma_wait3A_264] : memref<204800x128xf32, #tpu.memory_space<hbm>> -> memref<64x128xf32, #tpu.memory_space<hbm>>
    tpu.wait_dma2 semaphore(%arg35 : memref<!tpu.dma_semaphore, #tpu.memory_space<semaphore_mem>>) src(%arg15 : memref<64x128xf32, #tpu.memory_space<vmem>>) dst(%dma_wait3A_265 : memref<64x128xf32, #tpu.memory_space<hbm>>)
    return
  }
}

</mosaic_0001>

<sc_bundles>
// kernel: kernel.3.cloned.1.call-start
scs
__scs_entry_jumppad:
0x0: {  	(pc) =	sbr.rel $0x88, $3  }
0x1: {  	(tag) =	ssettag $0x0;
	lr =	simm.s32 $0x1  }
0x2: {  	[smem:$0x3F9F] =	sst lr;
	_ =	strace $0xD0000000  }
0x3: {  	_ = 	snop  }
0x4: {  	_ = 	snop  }
0x5: {  	_ = 	snop  }
0x6: {  	_ = 	snop  }
0x7: {  	_ = 	snop  }
__scs_overlays_trampoline_lowered:
0x8: {  	[smem:$0x3FAE] =	sst s0  }
0x9: {  	[smem:$0x3FAF] =	sst s1  }
0xa: {  	[smem:$0x3FB0] =	sst s2  }
0xb: {  	[smem:$0x3FB1] =	sst s3  }
0xc: {  	[smem:$0x3FB2] =	sst s4  }
0xd: {  	[smem:$0x3FB3] =	sst s5  }
0xe: {  	[smem:$0x3FB4] =	sst s6  }
0xf: {  	[smem:$0x3FB5] =	sst s7  }
0x10: {  	[smem:$0x3FB6] =	sst s8  }
0x11: {  	[smem:$0x3FB7] =	sst s9;
	s0 =	simm.s32 @!p0 $0x0  }
0x12: {  	s1 =	sld [smem:$0x3F9D];
	s0 =	simm.s32 @p0 $0x1  }
0x13: {  	[smem:$0x3FB8] =	sst s0;
	s0 =	simm.s32 @!p1 $0x0  }
0x14: {  	s2 =	sld [smem:$0x3F9C];
	s0 =	simm.s32 @p1 $0x1  }
0x15: {  	[smem:$0x3FB9] =	sst s0;
	s0 =	simm.s32 @!p2 $0x0  }
0x16: {  	s3 =	sld [smem:$0x3FDB];
	s0 =	simm.s32 @p2 $0x1  }
0x17: {  	s4 =	simm.s32 $0x1BF5;
	[smem:$0x3FBB] =	sst s0  }
0x18: {  	s0 =	sld [smem:$0x3F9E];
	_ =	swait.ge [sflag:s4], $0x0  }
0x19: {  	s7 =	sld [smem:$0x3F9F]  }
0x1a: {  	s8 =	sadd.s32 $0xFFFFE003, lr  }
0x1b: {  	s9 =	sadd.s32 $0xFFFFFEF7, lr;
	s5 =	simm.s32 $0xFFFFFFFF;
	p2 =	slt.u32 s8, $0xFFFFF086  }
0x1c: {  	p1 =	slt.u32 s9, $0xF7A;
	s5 =	simm.s32 @!p2 $0x0  }
0x1d: {  	s5 =	simm.s32 @p1 $0x1;
	p0 =	seq.s32 s7, s2  }
0x1e: {  	s7 =	smul.u32 @!p0 $0xF7A, s2;
	p2 =	seq.s32 @!p0 s5, $0x0  }
0x1f: {  	s9 =	smul.u32 $0xF7A, s1;
	s8 =	simm.s32 @!p0 $0x1BF5;
	p2 =	por !p2, p0  }
0x20: {  	[sflag:s8] =	ssyncset.s32 @!p0 $0xFFFFF086;
	s6 =	sadd.s32 @!p0 s3, s7;
	s7 =	simm.s32 @!p0 $0x108  }
0x21: {  	s3 =	sadd.s32 s3, s9;
	s6 =	sadd.s32 @!p0 $0x88, s6;
	s7 =	simm.s32 @p2 $0x1082  }
0x22: {  	[simem:s7], [sflag:s8] =	dma.local @!p0 [hbm:s6], $0xF7A  }
0x23: {  	s9 =	sor.u32 $0xD0000000, s2;
	s6 =	simm.s32 $0x108;
	_ =	swait.ge @!p0 [sflag:s8], $0x0  }
0x24: {  	s3 =	sadd.s32 $0x88, s3;
	s6 =	simm.s32 @!p1 $0x1082;
	[sflag:s4] =	ssyncset.s32 $0xFFFFF086  }
0x25: {  	[simem:s6], [sflag:s4] =	dma.local [hbm:s3], $0xF7A  }
0x26: {  	[smem:$0x3F9F] =	sst s1;
	(tag) =	ssettag s2;
	_ =	strace s9  }
0x27: {  	s1 =	sld [smem:$0x3FAF]  }
0x28: {  	s2 =	sld [smem:$0x3FB0]  }
0x29: {  	s4 =	sld [smem:$0x3FB2]  }
0x2a: {  	p0 =	seq.s32 s5, $0x0;
	s5 =	sld [smem:$0x3FB3]  }
0x2b: {  	s6 =	sld [smem:$0x3FB4]  }
0x2c: {  	s7 =	sld [smem:$0x3FB5]  }
0x2d: {  	s3 =	simm.s32 $0x108;
	s8 =	sld [smem:$0x3FB6]  }
0x2e: {  	s3 =	simm.s32 @!p0 $0x1082;
	s9 =	sld [smem:$0x3FB7]  }
0x2f: {  	lr =	sadd.s32 s0, s3;
	s0 =	sld [smem:$0x3FAE]  }
0x30: {  	s3 =	sld [smem:$0x3FB1]  }
0x31: {  	[smem:$0x3FBA] =	sst s10  }
0x32: {  	s10 =	sld [smem:$0x3FB8];
	_ =	sdelay $0x3  }
0x33: {  	p0 =	seq.s32 s10, $0x1;
	s10 =	sld [smem:$0x3FBA];
	_ =	sdelay $0x3  }
0x34: {  	[smem:$0x3FBA] =	sst s10  }
0x35: {  	s10 =	sld [smem:$0x3FB9];
	_ =	sdelay $0x3  }
0x36: {  	p1 =	seq.s32 s10, $0x1;
	s10 =	sld [smem:$0x3FBA];
	_ =	sdelay $0x3  }
0x37: {  	[smem:$0x3FBA] =	sst s10  }
0x38: {  	s10 =	sld [smem:$0x3FBB]  }
0x39: {  	_ = 	snop;
	(pc) =	sbr.ind lr, $3  }
0x3a: {  	_ = 	snop  }
0x3b: {  	_ = 	snop  }
0x3c: {  	p2 =	seq.s32 s10, $0x1;
	s10 =	sld [smem:$0x3FBA]  }
0x3d: {  	_ =	shalt  }
0x3e: {  	_ =	shalt  }
0x3f: {  	_ =	shalt  }
0x40: {  	_ =	shalt  }
0x41: {  	_ =	shalt  }
0x42: {  	_ =	shalt  }
0x43: {  	_ =	shalt  }
0x44: {  	_ =	shalt  }
0x45: {  	_ =	shalt  }
0x46: {  	_ =	shalt  }
0x47: {  	_ =	shalt  }
0x48: {  	_ =	shalt  }
0x49: {  	_ =	shalt  }
0x4a: {  	_ =	shalt  }
0x4b: {  	_ =	shalt  }
0x4c: {  	_ =	shalt  }
0x4d: {  	_ =	shalt  }
0x4e: {  	_ =	shalt  }
0x4f: {  	_ =	shalt  }
0x50: {  	_ =	shalt  }
0x51: {  	_ =	shalt  }
0x52: {  	_ =	shalt  }
0x53: {  	_ =	shalt  }
0x54: {  	_ =	shalt  }
0x55: {  	_ =	shalt  }
0x56: {  	_ =	shalt  }
0x57: {  	_ =	shalt  }
0x58: {  	_ =	shalt  }
0x59: {  	_ =	shalt  }
0x5a: {  	_ =	shalt  }
0x5b: {  	_ =	shalt  }
0x5c: {  	_ =	shalt  }
0x5d: {  	_ =	shalt  }
0x5e: {  	_ =	shalt  }
0x5f: {  	_ =	shalt  }
0x60: {  	_ =	shalt  }
0x61: {  	_ =	shalt  }
0x62: {  	_ =	shalt  }
0x63: {  	_ =	shalt  }
0x64: {  	_ =	shalt  }
0x65: {  	_ =	shalt  }
0x66: {  	_ =	shalt  }
0x67: {  	_ =	shalt  }
0x68: {  	_ =	shalt  }
0x69: {  	_ =	shalt  }
0x6a: {  	_ =	shalt  }
0x6b: {  	_ =	shalt  }
0x6c: {  	_ =	shalt  }
0x6d: {  	_ =	shalt  }
0x6e: {  	_ =	shalt  }
0x6f: {  	_ =	shalt  }
0x70: {  	_ =	shalt  }
0x71: {  	_ =	shalt  }
0x72: {  	_ =	shalt  }
0x73: {  	_ =	shalt  }
0x74: {  	_ =	shalt  }
0x75: {  	_ =	shalt  }
0x76: {  	_ =	shalt  }
0x77: {  	_ =	shalt  }
0x78: {  	_ =	shalt  }
0x79: {  	_ =	shalt  }
0x7a: {  	_ =	shalt  }
0x7b: {  	_ =	shalt  }
0x7c: {  	_ =	shalt  }
0x7d: {  	_ =	shalt  }
0x7e: {  	_ =	shalt  }
0x7f: {  	_ =	shalt  }
0x80: {  	_ =	shalt  }
0x81: {  	_ =	shalt  }
0x82: {  	_ =	shalt  }
0x83: {  	_ =	shalt  }
0x84: {  	_ =	shalt  }
0x85: {  	_ =	shalt  }
0x86: {  	_ =	shalt  }
0x87: {  	_ =	shalt  }
.Lfunc_end0:
.L_simem_size_0:
called_computation_lowered:
.L_overlay_start_0:
0x88: {  	s2 =	sld [smem:$0x3FD9]  }
0x89: {  	s3 =	sld [smem:$0x3FFE];
	_ =	sdelay $0x1  }
0x8a: {  	s1 =	srdreg.scid  }
0x8b: {  	s0 =	sand.u32 $0x1, s1  }
0x8c: {  	s17 =	sshll.u32 s0, $0xA;
	s2 =	sadd.s32 s3, s2  }
0x8d: {  	s2 =	sadd.s32 s2, s17  }
0x8e: {  	[smem:$0x3FC6] =	sst s2  }
0x8f: {  	_ = 	snop  }
0x90: {  	s2 =	sld [smem:$0x3FC8]  }
0x91: {  	s18 =	sld [smem:$0x3FD0];
	(tm) =	ssettm $0x1  }
0x92: {  	s4 =	sld [smem:$0x3FFB];
	_ =	sdelay $0x3  }
0x93: {  	_ =	strace s4  }
0x94: {  	s4 =	sld [smem:$0x3FFC];
	_ =	sdelay $0x3  }
0x95: {  	_ =	strace s4  }
0x96: {  	s4 =	sld [smem:$0x3FFD];
	_ =	sdelay $0x3  }
0x97: {  	_ =	strace s4  }
0x98: {  	_ =	strace $0x8FFFFFFF  }
0x99: {  	s19 =	sld [smem:$0x3FDB];
	_ =	sdelay $0x1  }
0x9a: {  	s5 =	simm.s32 $_scs_section_size  }
0x9b: {  	s6 =	simm.s32 $_size__tile_overlayer_lowered;
	s7 =	simm.s32 $_tile_overlayer_lowered  }
0x9c: {  	s22 =	simm.s32 $0x1BFF;
	s21 =	sshll.u32 s7, $0x1;
	s4 =	sadd.s32 s5, s19  }
0x9d: {  	s8 =	simm.s32 $0x0;
	s20 =	sshll.u32 s6, $0x1;
	s6 =	sadd.s32 s21, s4  }
0x9e: {  	[timem:s8], [sflag:s22] =	dma.local [hbm:s6], s20  }
0x9f: {  	_ =	swait.ge [sflag:s22], s20  }
0xa0: {  	s5 =	ssub.s32 $0x0, s20;
	[sflag:s22] =	ssyncset.done $0x0  }
0xa1: {  	[sflag:s22] =	ssyncadd.s32 s5;
	_ =	sdelay $0x1  }
0xa2: {  	s23 =	simm.s32 $0x1B8B  }
0xa3: {  	_ =	swait.ge [sflag:s23], $0x1  }
0xa4: {  	[sflag:s23] =	ssyncset.done $0x0  }
0xa5: {  	s25 =	simm.s32 $0x1B8E;
	s24 =	sld [smem:$0x3FFE];
	[sflag:s23] =	ssyncadd.s32 $0xFFFFFFFF  }
0xa6: {  	s26 =	simm.s32 $execute0_lowered;
	[smem:$0x3FD2] =	sst s25  }
0xa7: {  	s6 =	sshll.u32 s26, $0x1;
	_ =	strace $0x80000046;
	[dreg:$0x1] =	wrdreg $0xFFFFFFFF  }
0xa8: {  	s28 =	simm.s32 $_size_execute0_lowered;
	s4 =	sadd.s32 s4, s6;
	[dreg:$0x0] =	wrdreg $0x0  }
0xa9: {  	s6 =	sshll.u32 s28, $0x1;
	[dreg:$0x2] =	wrdreg s4  }
0xaa: {  	[dreg:$0x3] =	wrdreg s6  }
0xab: {  	[dreg:$0x4] =	wrdreg $0xC0  }
0xac: {  	_ =	task [dreg:s8], $0x5FFFF  }
0xad: {  	[dreg:$0x1] =	wrdreg $0xFFFFFFFF  }
0xae: {  	[dreg:$0x0] =	wrdreg $0x60  }
0xaf: {  	[dreg:$0x2] =	wrdreg s2  }
0xb0: {  	[dreg:$0x3] =	wrdreg s24  }
0xb1: {  	[dreg:$0x4] =	wrdreg s18  }
0xb2: {  	[dreg:$0x5] =	wrdreg $0x9  }
0xb3: {  	_ =	task.clear_ibuf [dreg:s8], $0x6FFFF;
	_ =	strace $0x90000046  }
0xb4: {  	s29 =	simm.s32 $0x9;
	_ =	strace $0x80000048  }
0xb5: {  	_ =	swait.ge [sflag:s29], $0x1  }
0xb6: {  	[sflag:s29] =	ssyncadd.s32 $0xFFFFFFFF  }
0xb7: {  	_ =	strace $0x90000048  }
0xb8: {  	_ =	sfence  }
0xb9: {  	s30 =	sld [smem:$0x0];
	_ =	sdelay $0x2  }
0xba: {  	s31 =	sshll.u32 s1, $0xD;
	s1 =	sshrl.u32 s1, $0x2  }
0xbb: {  	s3 =	sand.u32 $0x4000, s31;
	s1 =	sadd.s32 s1, s30  }
0xbc: {  	s0 =	sor.u32 s3, s0;
	s1 =	sshll.u32 s1, $0x11  }
0xbd: {  	s0 =	sor.u32 s1, s0  }
0xbe: {  	s0 =	sadd.s32 $0x8F2B, s0  }
0xbf: {  	[sflag:s0] =	ssyncadd.remote.s32 $0x1  }
0xc0: {  	_ =	sfence.sel $0xFFFF  }
0xc1: {  	[dreg:$0x0] =	wrdreg $0xFFFFFFFF;
	(pc) =	sbr.abs _section_cstart, $3  }
0xc2: {  	[dreg:$0x1] =	wrdreg $0xFFFFFFFF  }
0xc3: {  	_ =	task.clear_ibuf [dreg:s8], $0x2FFFF;
	_ =	strace $0x9FFFFFFF  }
0xc4: {  	(tm) =	ssettm $0x7FFFFFFF  }
0xc5: {  	_ =	shalt  }
tec
execute0_lowered:
.L_overlay_start_1:
0x0: {  	(tag) =	ssettag $0x1  }
0x1: {  	s1 =	rddreg [dreg:$0x0]  }
0x2: {  	s0 =	srdreg.scid;
	s2 =	rddreg [dreg:$0x1]  }
0x3: {  	s8 =	stileid.u32;
	s4 =	rddreg [dreg:$0x2]  }
0x4: {  	s9 =	simm.s32 $0xA;
	s0 =	sand.u32 $0x1, s0;
	s3 =	sshll.u32 s8, $0x1  }
0x5: {  	s10 =	simm.s32 $0xB;
	s11 =	simm.s32 $0xC;
	s5 =	sor.u32 s0, s3  }
0x6: {  	s12 =	simm.s32 $0xD;
	s13 =	simm.s32 $0xE;
	s6 =	smul.u32 $0xC8000, s5  }
0x7: {  	s14 =	simm.s32 $0xF;
	s3 =	simm.s32 $0x0;
	s5 =	smul.u32 $0x680, s5  }
0x8: {  	s15 =	simm.s32 $0x10;
	s7 =	ssub.s32 $0x2, s0;
	[smem:$0x7FF] =	sst s3  }
0x9: {  	s18 =	sshrl.u32 s7, $0x1;
	_ =	strace $0x80000047;
	s2 =	sadd.s32 s5, s2  }
0xa: {  	s6 =	sshrl.u32 s6, $0x3;
	s5 =	ssub.s32 s7, s18;
	s2 =	sadd.s32 $0x400, s2  }
0xb: {  	s6 =	sadd.s32 s4, s6;
	s31 =	smax.u32 s5, $0x1;
	[dreg:$0x4] =	wrdreg s2  }
0xc: {  	s17 =	simm.s32 $0x11;
	s19 =	sadd.s32 $0x16800, s6;
	[dreg:$0xf] =	wrdreg s31  }
0xd: {  	s16 =	simm.s32 $0x12;
	s20 =	sadd.s32 $0x16C00, s6;
	[dreg:$0x5] =	wrdreg s19  }
0xe: {  	s22 =	smul.u32 $0x32000, s8;
	s21 =	sadd.s32 $0x17000, s6;
	[dreg:$0x6] =	wrdreg s20  }
0xf: {  	s8 =	simm.s32 $0x9;
	s23 =	sadd.s32 $0x17400, s6;
	[dreg:$0x7] =	wrdreg s21  }
0x10: {  	s0 =	smul.u32 $0x19000, s0;
	s24 =	sadd.s32 $0x17800, s6;
	[dreg:$0x8] =	wrdreg s23  }
0x11: {  	s18 =	simm.s32 $0x40;
	s25 =	sadd.s32 $0x17C00, s6;
	[dreg:$0x9] =	wrdreg s24  }
0x12: {  	s7 =	simm.s32 $0x8;
	s26 =	sadd.s32 $0x18000, s6;
	[dreg:$0xa] =	wrdreg s25  }
0x13: {  	s2 =	sadd.s32 s22, s4;
	s28 =	sadd.s32 $0x18400, s6;
	[dreg:$0xb] =	wrdreg s26  }
0x14: {  	s29 =	sadd.s32 $0x18800, s6;
	s30 =	sadd.s32 $0x18C00, s6;
	[dreg:$0xc] =	wrdreg s28  }
0x15: {  	s6 =	simm.s32 $0x7;
	[dreg:$0xd] =	wrdreg s29;
	s0 =	sadd.s32 s0, s2  }
0x16: {  	[dreg:$0xe] =	wrdreg s30;
	s19 =	simm.s32 $0x13;
	s0 =	sadd.s32 $0x2400, s0  }
0x17: {  	s21 =	simm.s32 $0x14;
	[dreg:$0x10] =	wrdreg s0;
	s0 =	simm.s32 $0x0  }
.LBB2_1:
0x18: {  	[dreg:$0x11] =	wrdreg s0  }
0x19: {  	s23 =	rddreg [dreg:$0x4];
	s26 =	simm.s32 $0x15  }
0x1a: {  	[tilespmem:s3], [sflag:$0x15] =	stream.linear.gather [hbm4b:s23+s3], $0x3200, $0x38;
	[tilespmem:$0x17400] =	vst v63  }
0x1b: {  	_ =	swait.ge [sflag:s26], $0x3200  }
0x1c: {  	[sflag:s26] =	ssyncset.done $0x0  }
0x1d: {  	s2 =	simm.s32 $0x3400;
	[sflag:s26] =	ssyncadd.s32 $0xFFFFCE00  }
0x1e: {  	[tilespmem:s2], [sflag:$0x1] =	stream.indirect.gather [hbm4b:s1+s18], $0x80, s3, s18, $0xb8;
	[tilespmem:$0x17400] =	vst v63  }
0x1f: {  	s20 =	simm.s32 $0x80;
	s24 =	simm.s32 $0x5400  }
0x20: {  	[tilespmem:s24], [sflag:$0x2] =	stream.indirect.gather [hbm4b:s1+s18], $0x80, s20, s18, $0xb8;
	[tilespmem:$0x17400] =	vst v63  }
0x21: {  	s29 =	simm.s32 $0x100;
	s28 =	simm.s32 $0x7400  }
0x22: {  	[tilespmem:s28], [sflag:$0x3] =	stream.indirect.gather [hbm4b:s1+s18], $0x80, s29, s18, $0xb8;
	[tilespmem:$0x17400] =	vst v63  }
0x23: {  	s30 =	simm.s32 $0x180;
	s29 =	simm.s32 $0x9400  }
0x24: {  	[tilespmem:s29], [sflag:$0x4] =	stream.indirect.gather [hbm4b:s1+s18], $0x80, s30, s18, $0xb8;
	[tilespmem:$0x17400] =	vst v63  }
0x25: {  	s31 =	simm.s32 $0x200;
	s0 =	simm.s32 $0xB400  }
0x26: {  	[tilespmem:s0], [sflag:$0x5] =	stream.indirect.gather [hbm4b:s1+s18], $0x80, s31, s18, $0xb8;
	[tilespmem:$0x17400] =	vst v63  }
0x27: {  	s4 =	simm.s32 $0x280;
	s22 =	simm.s32 $0xD400  }
0x28: {  	[tilespmem:s22], [sflag:$0x6] =	stream.indirect.gather [hbm4b:s1+s18], $0x80, s4, s18, $0xb8;
	[tilespmem:$0x17400] =	vst v63  }
0x29: {  	s5 =	simm.s32 $0x300;
	s26 =	simm.s32 $0xF400  }
0x2a: {  	[tilespmem:s26], [sflag:$0x7] =	stream.indirect.gather [hbm4b:s1+s18], $0x80, s5, s18, $0xb8;
	[tilespmem:$0x17400] =	vst v63  }
0x2b: {  	s23 =	simm.s32 $0x380;
	s30 =	simm.s32 $0x11400  }
0x2c: {  	[tilespmem:s30], [sflag:$0x8] =	stream.indirect.gather [hbm4b:s1+s18], $0x80, s23, s18, $0xb8;
	[tilespmem:$0x17400] =	vst v63  }
0x2d: {  	s20 =	simm.s32 $0x13400;
	s4 =	simm.s32 $0x400  }
0x2e: {  	[tilespmem:s20], [sflag:$0x9] =	stream.indirect.gather [hbm4b:s1+s18], $0x80, s4, s18, $0xb8;
	[tilespmem:$0x17400] =	vst v63  }
0x2f: {  	s25 =	simm.s32 $0x480;
	s31 =	simm.s32 $0x1;
	s5 =	simm.s32 $0x15400  }
0x30: {  	[tilespmem:s5], [sflag:$0xA] =	stream.indirect.gather [hbm4b:s1+s18], $0x80, s25, s18, $0xb8;
	[tilespmem:$0x17400] =	vst v63  }
0x31: {  	_ =	swait.ge [sflag:s31], $0x2000  }
0x32: {  	[sflag:s31] =	ssyncset.done $0x0;
	s25 =	rddreg [dreg:$0x10]  }
0x33: {  	[sflag:s31] =	ssyncadd.s32 $0xFFFFE000;
	s4 =	sadd.s32 $0xFFFFDC00, s25;
	s31 =	simm.s32 $0x2  }
0x34: {  	[hbm4b:s4+s3] =	stream.linear.scatter [tilespmem:s2], [sflag:$0xB], $0x2000, $0x38;
	[tilespmem:$0x17400] =	vst v63  }
0x35: {  	_ =	swait.ge [sflag:s31], $0x2000  }
0x36: {  	[sflag:s31] =	ssyncset.done $0x0  }
0x37: {  	s4 =	sadd.s32 $0xFFFFE000, s25;
	[sflag:s31] =	ssyncadd.s32 $0xFFFFE000;
	s31 =	simm.s32 $0x3  }
0x38: {  	[hbm4b:s4+s3] =	stream.linear.scatter [tilespmem:s24], [sflag:$0xC], $0x2000, $0x38;
	[tilespmem:$0x17400] =	vst v63  }
0x39: {  	_ =	swait.ge [sflag:s31], $0x2000  }
0x3a: {  	[sflag:s31] =	ssyncset.done $0x0  }
0x3b: {  	s4 =	sadd.s32 $0xFFFFE400, s25;
	[sflag:s31] =	ssyncadd.s32 $0xFFFFE000;
	s31 =	simm.s32 $0x4  }
0x3c: {  	[hbm4b:s4+s3] =	stream.linear.scatter [tilespmem:s28], [sflag:$0xD], $0x2000, $0x38;
	[tilespmem:$0x17400] =	vst v63  }
0x3d: {  	_ =	swait.ge [sflag:s31], $0x2000  }
0x3e: {  	[sflag:s31] =	ssyncset.done $0x0  }
0x3f: {  	s4 =	sadd.s32 $0xFFFFE800, s25;
	[sflag:s31] =	ssyncadd.s32 $0xFFFFE000;
	s31 =	simm.s32 $0x5  }
0x40: {  	[hbm4b:s4+s3] =	stream.linear.scatter [tilespmem:s29], [sflag:$0xE], $0x2000, $0x38;
	[tilespmem:$0x17400] =	vst v63  }
0x41: {  	_ =	swait.ge [sflag:s31], $0x2000  }
0x42: {  	[sflag:s31] =	ssyncset.done $0x0  }
0x43: {  	s4 =	sadd.s32 $0xFFFFEC00, s25;
	[sflag:s31] =	ssyncadd.s32 $0xFFFFE000;
	s31 =	simm.s32 $0x6  }
0x44: {  	[hbm4b:s4+s3] =	stream.linear.scatter [tilespmem:s0], [sflag:$0xF], $0x2000, $0x38;
	[tilespmem:$0x17400] =	vst v63  }
0x45: {  	_ =	swait.ge [sflag:s31], $0x2000  }
0x46: {  	[sflag:s31] =	ssyncset.done $0x0  }
0x47: {  	s4 =	sadd.s32 $0xFFFFF000, s25;
	[sflag:s31] =	ssyncadd.s32 $0xFFFFE000  }
0x48: {  	[hbm4b:s4+s3] =	stream.linear.scatter [tilespmem:s22], [sflag:$0x10], $0x2000, $0x38;
	[tilespmem:$0x17400] =	vst v63  }
0x49: {  	_ =	swait.ge [sflag:s6], $0x2000  }
0x4a: {  	[sflag:s6] =	ssyncset.done $0x0  }
0x4b: {  	s31 =	sadd.s32 $0xFFFFF400, s25;
	[sflag:s6] =	ssyncadd.s32 $0xFFFFE000  }
0x4c: {  	[hbm4b:s31+s3] =	stream.linear.scatter [tilespmem:s26], [sflag:$0x11], $0x2000, $0x38;
	[tilespmem:$0x17400] =	vst v63  }
0x4d: {  	_ =	swait.ge [sflag:s7], $0x2000  }
0x4e: {  	[sflag:s7] =	ssyncset.done $0x0  }
0x4f: {  	s4 =	sadd.s32 $0xFFFFF800, s25;
	[sflag:s7] =	ssyncadd.s32 $0xFFFFE000  }
0x50: {  	[hbm4b:s4+s3] =	stream.linear.scatter [tilespmem:s30], [sflag:$0x12], $0x2000, $0x38;
	[tilespmem:$0x17400] =	vst v63  }
0x51: {  	_ =	swait.ge [sflag:s8], $0x2000  }
0x52: {  	[sflag:s8] =	ssyncset.done $0x0  }
0x53: {  	s31 =	sadd.s32 $0xFFFFFC00, s25;
	[sflag:s8] =	ssyncadd.s32 $0xFFFFE000  }
0x54: {  	[hbm4b:s31+s3] =	stream.linear.scatter [tilespmem:s20], [sflag:$0x13], $0x2000, $0x38;
	[tilespmem:$0x17400] =	vst v63  }
0x55: {  	_ =	swait.ge [sflag:s9], $0x2000  }
0x56: {  	[sflag:s9] =	ssyncset.done $0x0  }
0x57: {  	[sflag:s9] =	ssyncadd.s32 $0xFFFFE000  }
0x58: {  	[hbm4b:s25+s3] =	stream.linear.scatter [tilespmem:s5], [sflag:$0x14], $0x2000, $0x38;
	[tilespmem:$0x17400] =	vst v63  }
0x59: {  	_ =	swait.ge [sflag:s10], $0x2000  }
0x5a: {  	[sflag:s10] =	ssyncset.done $0x0  }
0x5b: {  	s4 =	simm.s32 $0x500;
	[sflag:s10] =	ssyncadd.s32 $0xFFFFE000  }
0x5c: {  	[tilespmem:s2], [sflag:$0x1] =	stream.indirect.gather [hbm4b:s1+s18], $0x80, s4, s18, $0xb8;
	[tilespmem:$0x17400] =	vst v63  }
0x5d: {  	_ =	swait.ge [sflag:s11], $0x2000  }
0x5e: {  	[sflag:s11] =	ssyncset.done $0x0  }
0x5f: {  	s5 =	simm.s32 $0x580;
	[sflag:s11] =	ssyncadd.s32 $0xFFFFE000  }
0x60: {  	[tilespmem:s24], [sflag:$0x2] =	stream.indirect.gather [hbm4b:s1+s18], $0x80, s5, s18, $0xb8;
	[tilespmem:$0x17400] =	vst v63  }
0x61: {  	_ =	swait.ge [sflag:s12], $0x2000  }
0x62: {  	[sflag:s12] =	ssyncset.done $0x0  }
0x63: {  	s31 =	simm.s32 $0x600;
	[sflag:s12] =	ssyncadd.s32 $0xFFFFE000  }
0x64: {  	[tilespmem:s28], [sflag:$0x3] =	stream.indirect.gather [hbm4b:s1+s18], $0x80, s31, s18, $0xb8;
	[tilespmem:$0x17400] =	vst v63  }
0x65: {  	_ =	swait.ge [sflag:s13], $0x2000  }
0x66: {  	[sflag:s13] =	ssyncset.done $0x0  }
0x67: {  	s2 =	simm.s32 $0x680;
	[sflag:s13] =	ssyncadd.s32 $0xFFFFE000  }
0x68: {  	[tilespmem:s29], [sflag:$0x4] =	stream.indirect.gather [hbm4b:s1+s18], $0x80, s2, s18, $0xb8;
	[tilespmem:$0x17400] =	vst v63  }
0x69: {  	_ =	swait.ge [sflag:s14], $0x2000  }
0x6a: {  	[sflag:s14] =	ssyncset.done $0x0  }
0x6b: {  	s4 =	simm.s32 $0x700;
	[sflag:s14] =	ssyncadd.s32 $0xFFFFE000  }
0x6c: {  	[tilespmem:s0], [sflag:$0x5] =	stream.indirect.gather [hbm4b:s1+s18], $0x80, s4, s18, $0xb8;
	[tilespmem:$0x17400] =	vst v63  }
0x6d: {  	_ =	swait.ge [sflag:s15], $0x2000  }
0x6e: {  	[sflag:s15] =	ssyncset.done $0x0  }
0x6f: {  	s5 =	simm.s32 $0x780;
	[sflag:s15] =	ssyncadd.s32 $0xFFFFE000  }
0x70: {  	[tilespmem:s22], [sflag:$0x6] =	stream.indirect.gather [hbm4b:s1+s18], $0x80, s5, s18, $0xb8;
	[tilespmem:$0x17400] =	vst v63  }
0x71: {  	_ =	swait.ge [sflag:s17], $0x2000  }
0x72: {  	[sflag:s17] =	ssyncset.done $0x0  }
0x73: {  	s24 =	simm.s32 $0x800;
	[sflag:s17] =	ssyncadd.s32 $0xFFFFE000  }
0x74: {  	[tilespmem:s26], [sflag:$0x7] =	stream.indirect.gather [hbm4b:s1+s18], $0x80, s24, s18, $0xb8;
	[tilespmem:$0x17400] =	vst v63  }
0x75: {  	_ =	swait.ge [sflag:s16], $0x2000  }
0x76: {  	[sflag:s16] =	ssyncset.done $0x0  }
0x77: {  	s29 =	simm.s32 $0x880;
	[sflag:s16] =	ssyncadd.s32 $0xFFFFE000  }
0x78: {  	[tilespmem:s30], [sflag:$0x8] =	stream.indirect.gather [hbm4b:s1+s18], $0x80, s29, s18, $0xb8;
	[tilespmem:$0x17400] =	vst v63  }
0x79: {  	_ =	swait.ge [sflag:s19], $0x2000  }
0x7a: {  	[sflag:s19] =	ssyncset.done $0x0  }
0x7b: {  	s31 =	simm.s32 $0x900;
	[sflag:s19] =	ssyncadd.s32 $0xFFFFE000  }
0x7c: {  	[tilespmem:s20], [sflag:$0x9] =	stream.indirect.gather [hbm4b:s1+s18], $0x80, s31, s18, $0xb8;
	[tilespmem:$0x17400] =	vst v63  }
0x7d: {  	_ =	swait.ge [sflag:s21], $0x2000  }
0x7e: {  	s23 =	simm.s32 $0x1400;
	[sflag:s21] =	ssyncset.done $0x0  }
0x7f: {  	s25 =	sadd.s32 $0x2800, s25;
	s28 =	simm.s32 $0x980;
	[sflag:s21] =	ssyncadd.s32 $0xFFFFE000  }
.LBB2_2:
0x80: {  	s20 =	simm.s32 $0x15400  }
0x81: {  	[tilespmem:s20], [sflag:$0xA] =	stream.indirect.gather [hbm4b:s1+s18], $0x80, s28, s18, $0xb8;
	[tilespmem:$0x17400] =	vst v63  }
0x82: {  	s0 =	simm.s32 $0x1;
	s28 =	smov.u32 s23  }
0x83: {  	p0 =	sne.s32 s23, $0xA000;
	s23 =	sadd.s32 $0x1400, s23;
	_ =	swait.ge [sflag:s0], $0x2000  }
0x84: {  	s30 =	sadd.s32 $0xFFFFDC00, s25;
	[sflag:s0] =	ssyncset.done $0x0  }
0x85: {  	s2 =	simm.s32 $0x3400;
	[sflag:s0] =	ssyncadd.s32 $0xFFFFE000;
	s0 =	simm.s32 $0x2  }
0x86: {  	[hbm4b:s30+s3] =	stream.linear.scatter [tilespmem:s2], [sflag:$0xB], $0x2000, $0x38;
	[tilespmem:$0x17400] =	vst v63  }
0x87: {  	_ =	swait.ge [sflag:s0], $0x2000  }
0x88: {  	s24 =	simm.s32 $0x5400;
	[sflag:s0] =	ssyncset.done $0x0  }
0x89: {  	s30 =	sadd.s32 $0xFFFFE000, s25;
	[sflag:s0] =	ssyncadd.s32 $0xFFFFE000;
	s0 =	simm.s32 $0x3  }
0x8a: {  	[hbm4b:s30+s3] =	stream.linear.scatter [tilespmem:s24], [sflag:$0xC], $0x2000, $0x38;
	[tilespmem:$0x17400] =	vst v63  }
0x8b: {  	_ =	swait.ge [sflag:s0], $0x2000  }
0x8c: {  	s29 =	simm.s32 $0x7400;
	[sflag:s0] =	ssyncset.done $0x0  }
0x8d: {  	s30 =	sadd.s32 $0xFFFFE400, s25;
	[sflag:s0] =	ssyncadd.s32 $0xFFFFE000;
	s0 =	simm.s32 $0x4  }
0x8e: {  	[hbm4b:s30+s3] =	stream.linear.scatter [tilespmem:s29], [sflag:$0xD], $0x2000, $0x38;
	[tilespmem:$0x17400] =	vst v63  }
0x8f: {  	_ =	swait.ge [sflag:s0], $0x2000  }
0x90: {  	s31 =	simm.s32 $0x9400;
	[sflag:s0] =	ssyncset.done $0x0  }
0x91: {  	s30 =	sadd.s32 $0xFFFFE800, s25;
	[sflag:s0] =	ssyncadd.s32 $0xFFFFE000;
	s0 =	simm.s32 $0x5  }
0x92: {  	[hbm4b:s30+s3] =	stream.linear.scatter [tilespmem:s31], [sflag:$0xE], $0x2000, $0x38;
	[tilespmem:$0x17400] =	vst v63  }
0x93: {  	_ =	swait.ge [sflag:s0], $0x2000  }
0x94: {  	s4 =	simm.s32 $0x6;
	[sflag:s0] =	ssyncset.done $0x0  }
0x95: {  	s30 =	sadd.s32 $0xFFFFEC00, s25;
	[sflag:s0] =	ssyncadd.s32 $0xFFFFE000;
	s0 =	simm.s32 $0xB400  }
0x96: {  	[hbm4b:s30+s3] =	stream.linear.scatter [tilespmem:s0], [sflag:$0xF], $0x2000, $0x38;
	[tilespmem:$0x17400] =	vst v63  }
0x97: {  	_ =	swait.ge [sflag:s4], $0x2000  }
0x98: {  	[sflag:s4] =	ssyncset.done $0x0  }
0x99: {  	s22 =	simm.s32 $0xD400;
	s30 =	sadd.s32 $0xFFFFF000, s25;
	[sflag:s4] =	ssyncadd.s32 $0xFFFFE000  }
0x9a: {  	[hbm4b:s30+s3] =	stream.linear.scatter [tilespmem:s22], [sflag:$0x10], $0x2000, $0x38;
	[tilespmem:$0x17400] =	vst v63  }
0x9b: {  	_ =	swait.ge [sflag:s6], $0x2000  }
0x9c: {  	[sflag:s6] =	ssyncset.done $0x0  }
0x9d: {  	s26 =	simm.s32 $0xF400;
	s30 =	sadd.s32 $0xFFFFF400, s25;
	[sflag:s6] =	ssyncadd.s32 $0xFFFFE000  }
0x9e: {  	[hbm4b:s30+s3] =	stream.linear.scatter [tilespmem:s26], [sflag:$0x11], $0x2000, $0x38;
	[tilespmem:$0x17400] =	vst v63  }
0x9f: {  	_ =	swait.ge [sflag:s7], $0x2000  }
0xa0: {  	[sflag:s7] =	ssyncset.done $0x0  }
0xa1: {  	s4 =	simm.s32 $0x11400;
	s30 =	sadd.s32 $0xFFFFF800, s25;
	[sflag:s7] =	ssyncadd.s32 $0xFFFFE000  }
0xa2: {  	[hbm4b:s30+s3] =	stream.linear.scatter [tilespmem:s4], [sflag:$0x12], $0x2000, $0x38;
	[tilespmem:$0x17400] =	vst v63  }
0xa3: {  	_ =	swait.ge [sflag:s8], $0x2000  }
0xa4: {  	[sflag:s8] =	ssyncset.done $0x0  }
0xa5: {  	s5 =	simm.s32 $0x13400;
	s30 =	sadd.s32 $0xFFFFFC00, s25;
	[sflag:s8] =	ssyncadd.s32 $0xFFFFE000  }
0xa6: {  	[hbm4b:s30+s3] =	stream.linear.scatter [tilespmem:s5], [sflag:$0x13], $0x2000, $0x38;
	[tilespmem:$0x17400] =	vst v63  }
0xa7: {  	_ =	swait.ge [sflag:s9], $0x2000  }
0xa8: {  	[sflag:s9] =	ssyncset.done $0x0  }
0xa9: {  	[sflag:s9] =	ssyncadd.s32 $0xFFFFE000  }
0xaa: {  	[hbm4b:s25+s3] =	stream.linear.scatter [tilespmem:s20], [sflag:$0x14], $0x2000, $0x38;
	[tilespmem:$0x17400] =	vst v63  }
0xab: {  	_ =	swait.ge [sflag:s10], $0x2000  }
0xac: {  	s28 =	sshra.s32 s28, $0x2;
	[sflag:s10] =	ssyncset.done $0x0  }
0xad: {  	s30 =	sadd.s32 $0x500, s28;
	s20 =	simm.s32 $0x3400;
	[sflag:s10] =	ssyncadd.s32 $0xFFFFE000  }
0xae: {  	[tilespmem:s2], [sflag:$0x1] =	stream.indirect.gather [hbm4b:s1+s18], $0x80, s30, s18, $0xb8;
	[tilespmem:$0x17400] =	vst v63  }
0xaf: {  	_ =	swait.ge [sflag:s11], $0x2000  }
0xb0: {  	[sflag:s11] =	ssyncset.done $0x0  }
0xb1: {  	s30 =	sadd.s32 $0x580, s28;
	s2 =	simm.s32 $0x5400;
	[sflag:s11] =	ssyncadd.s32 $0xFFFFE000  }
0xb2: {  	[tilespmem:s24], [sflag:$0x2] =	stream.indirect.gather [hbm4b:s1+s18], $0x80, s30, s18, $0xb8;
	[tilespmem:$0x17400] =	vst v63  }
0xb3: {  	_ =	swait.ge [sflag:s12], $0x2000  }
0xb4: {  	[sflag:s12] =	ssyncset.done $0x0  }
0xb5: {  	s30 =	sadd.s32 $0x600, s28;
	s24 =	simm.s32 $0x7400;
	[sflag:s12] =	ssyncadd.s32 $0xFFFFE000  }
0xb6: {  	[tilespmem:s29], [sflag:$0x3] =	stream.indirect.gather [hbm4b:s1+s18], $0x80, s30, s18, $0xb8;
	[tilespmem:$0x17400] =	vst v63  }
0xb7: {  	_ =	swait.ge [sflag:s13], $0x2000  }
0xb8: {  	[sflag:s13] =	ssyncset.done $0x0  }
0xb9: {  	s30 =	sadd.s32 $0x680, s28;
	s29 =	simm.s32 $0x9400;
	[sflag:s13] =	ssyncadd.s32 $0xFFFFE000  }
0xba: {  	[tilespmem:s31], [sflag:$0x4] =	stream.indirect.gather [hbm4b:s1+s18], $0x80, s30, s18, $0xb8;
	[tilespmem:$0x17400] =	vst v63  }
0xbb: {  	_ =	swait.ge [sflag:s14], $0x2000  }
0xbc: {  	[sflag:s14] =	ssyncset.done $0x0  }
0xbd: {  	s30 =	sadd.s32 $0x700, s28;
	s31 =	simm.s32 $0xB400;
	[sflag:s14] =	ssyncadd.s32 $0xFFFFE000  }
0xbe: {  	[tilespmem:s0], [sflag:$0x5] =	stream.indirect.gather [hbm4b:s1+s18], $0x80, s30, s18, $0xb8;
	[tilespmem:$0x17400] =	vst v63  }
0xbf: {  	_ =	swait.ge [sflag:s15], $0x2000  }
0xc0: {  	[sflag:s15] =	ssyncset.done $0x0  }
0xc1: {  	s30 =	sadd.s32 $0x780, s28;
	s0 =	simm.s32 $0xD400;
	[sflag:s15] =	ssyncadd.s32 $0xFFFFE000  }
0xc2: {  	[tilespmem:s22], [sflag:$0x6] =	stream.indirect.gather [hbm4b:s1+s18], $0x80, s30, s18, $0xb8;
	[tilespmem:$0x17400] =	vst v63  }
0xc3: {  	_ =	swait.ge [sflag:s17], $0x2000  }
0xc4: {  	[sflag:s17] =	ssyncset.done $0x0  }
0xc5: {  	s30 =	sadd.s32 $0x800, s28;
	s22 =	simm.s32 $0xF400;
	[sflag:s17] =	ssyncadd.s32 $0xFFFFE000  }
0xc6: {  	[tilespmem:s26], [sflag:$0x7] =	stream.indirect.gather [hbm4b:s1+s18], $0x80, s30, s18, $0xb8;
	[tilespmem:$0x17400] =	vst v63  }
0xc7: {  	_ =	swait.ge [sflag:s16], $0x2000  }
0xc8: {  	[sflag:s16] =	ssyncset.done $0x0  }
0xc9: {  	s30 =	sadd.s32 $0x880, s28;
	s26 =	simm.s32 $0x11400;
	[sflag:s16] =	ssyncadd.s32 $0xFFFFE000  }
0xca: {  	[tilespmem:s4], [sflag:$0x8] =	stream.indirect.gather [hbm4b:s1+s18], $0x80, s30, s18, $0xb8;
	[tilespmem:$0x17400] =	vst v63  }
0xcb: {  	_ =	swait.ge [sflag:s19], $0x2000  }
0xcc: {  	s30 =	sadd.s32 $0x900, s28;
	[sflag:s19] =	ssyncset.done $0x0  }
.Ltmp0:
0xcd: {  	s4 =	simm.s32 $0x13400;
	[sflag:s19] =	ssyncadd.s32 $0xFFFFE000;
	(pc) =	sbr.rel @p0 .LBB2_2-.Ltmp0, $4  }
0xce: {  	[tilespmem:s5], [sflag:$0x9] =	stream.indirect.gather [hbm4b:s1+s18], $0x80, s30, s18, $0xb8;
	[tilespmem:$0x17400] =	vst v63  }
0xcf: {  	_ =	swait.ge [sflag:s21], $0x2000  }
0xd0: {  	[sflag:s21] =	ssyncset.done $0x0  }
0xd1: {  	s25 =	sadd.s32 $0x2800, s25;
	s28 =	sadd.s32 $0x980, s28;
	[sflag:s21] =	ssyncadd.s32 $0xFFFFE000  }
0xd2: {  	s5 =	simm.s32 $0x15400;
	s23 =	simm.s32 $0x1  }
0xd3: {  	[tilespmem:s5], [sflag:$0xA] =	stream.indirect.gather [hbm4b:s1+s18], $0x80, s28, s18, $0xb8;
	[tilespmem:$0x17400] =	vst v63  }
0xd4: {  	_ =	swait.ge [sflag:s23], $0x2000  }
0xd5: {  	[sflag:s23] =	ssyncset.done $0x0  }
0xd6: {  	s25 =	simm.s32 $0x2;
	s30 =	rddreg [dreg:$0x5];
	[sflag:s23] =	ssyncadd.s32 $0xFFFFE000  }
0xd7: {  	[hbm4b:s30+s3] =	stream.linear.scatter [tilespmem:s20], [sflag:$0xB], $0x2000, $0x38;
	[tilespmem:$0x17400] =	vst v63  }
0xd8: {  	_ =	swait.ge [sflag:s25], $0x2000  }
0xd9: {  	[sflag:s25] =	ssyncset.done $0x0  }
0xda: {  	s30 =	simm.s32 $0x3;
	s28 =	rddreg [dreg:$0x6];
	[sflag:s25] =	ssyncadd.s32 $0xFFFFE000  }
0xdb: {  	[hbm4b:s28+s3] =	stream.linear.scatter [tilespmem:s2], [sflag:$0xC], $0x2000, $0x38;
	[tilespmem:$0x17400] =	vst v63  }
0xdc: {  	_ =	swait.ge [sflag:s30], $0x2000  }
0xdd: {  	[sflag:s30] =	ssyncset.done $0x0  }
0xde: {  	s25 =	simm.s32 $0x4;
	s20 =	rddreg [dreg:$0x7];
	[sflag:s30] =	ssyncadd.s32 $0xFFFFE000  }
0xdf: {  	[hbm4b:s20+s3] =	stream.linear.scatter [tilespmem:s24], [sflag:$0xD], $0x2000, $0x38;
	[tilespmem:$0x17400] =	vst v63  }
0xe0: {  	_ =	swait.ge [sflag:s25], $0x2000  }
0xe1: {  	[sflag:s25] =	ssyncset.done $0x0  }
0xe2: {  	s28 =	rddreg [dreg:$0x8];
	[sflag:s25] =	ssyncadd.s32 $0xFFFFE000  }
0xe3: {  	[hbm4b:s28+s3] =	stream.linear.scatter [tilespmem:s29], [sflag:$0xE], $0x2000, $0x38;
	[tilespmem:$0x17400] =	vst v63  }
0xe4: {  	s29 =	simm.s32 $0x5  }
0xe5: {  	_ =	swait.ge [sflag:s29], $0x2000  }
0xe6: {  	[sflag:s29] =	ssyncset.done $0x0  }
0xe7: {  	s30 =	rddreg [dreg:$0x9];
	[sflag:s29] =	ssyncadd.s32 $0xFFFFE000  }
0xe8: {  	[hbm4b:s30+s3] =	stream.linear.scatter [tilespmem:s31], [sflag:$0xF], $0x2000, $0x38;
	[tilespmem:$0x17400] =	vst v63  }
0xe9: {  	s31 =	simm.s32 $0x6  }
0xea: {  	_ =	swait.ge [sflag:s31], $0x2000  }
0xeb: {  	[sflag:s31] =	ssyncset.done $0x0  }
0xec: {  	s20 =	rddreg [dreg:$0xa];
	[sflag:s31] =	ssyncadd.s32 $0xFFFFE000  }
0xed: {  	[hbm4b:s20+s3] =	stream.linear.scatter [tilespmem:s0], [sflag:$0x10], $0x2000, $0x38;
	[tilespmem:$0x17400] =	vst v63  }
0xee: {  	_ =	swait.ge [sflag:s6], $0x2000  }
0xef: {  	[sflag:s6] =	ssyncset.done $0x0  }
0xf0: {  	s24 =	rddreg [dreg:$0xb];
	[sflag:s6] =	ssyncadd.s32 $0xFFFFE000  }
0xf1: {  	[hbm4b:s24+s3] =	stream.linear.scatter [tilespmem:s22], [sflag:$0x11], $0x2000, $0x38;
	[tilespmem:$0x17400] =	vst v63  }
0xf2: {  	_ =	swait.ge [sflag:s7], $0x2000  }
0xf3: {  	[sflag:s7] =	ssyncset.done $0x0  }
0xf4: {  	s25 =	rddreg [dreg:$0xc];
	[sflag:s7] =	ssyncadd.s32 $0xFFFFE000  }
0xf5: {  	[hbm4b:s25+s3] =	stream.linear.scatter [tilespmem:s26], [sflag:$0x12], $0x2000, $0x38;
	[tilespmem:$0x17400] =	vst v63  }
0xf6: {  	_ =	swait.ge [sflag:s8], $0x2000  }
0xf7: {  	[sflag:s8] =	ssyncset.done $0x0  }
0xf8: {  	s28 =	rddreg [dreg:$0xd];
	[sflag:s8] =	ssyncadd.s32 $0xFFFFE000  }
0xf9: {  	[hbm4b:s28+s3] =	stream.linear.scatter [tilespmem:s4], [sflag:$0x13], $0x2000, $0x38;
	[tilespmem:$0x17400] =	vst v63  }
0xfa: {  	_ =	swait.ge [sflag:s9], $0x2000  }
0xfb: {  	[sflag:s9] =	ssyncset.done $0x0  }
0xfc: {  	s29 =	rddreg [dreg:$0xe];
	[sflag:s9] =	ssyncadd.s32 $0xFFFFE000  }
0xfd: {  	[hbm4b:s29+s3] =	stream.linear.scatter [tilespmem:s5], [sflag:$0x14], $0x2000, $0x38;
	[tilespmem:$0x17400] =	vst v63  }
0xfe: {  	_ =	swait.ge [sflag:s10], $0x2000  }
0xff: {  	[sflag:s10] =	ssyncset.done $0x0  }
0x100: {  	[sflag:s10] =	ssyncadd.s32 $0xFFFFE000  }
0x101: {  	_ =	swait.ge [sflag:s11], $0x2000  }
0x102: {  	[sflag:s11] =	ssyncset.done $0x0  }
0x103: {  	[sflag:s11] =	ssyncadd.s32 $0xFFFFE000  }
0x104: {  	_ =	swait.ge [sflag:s12], $0x2000  }
0x105: {  	[sflag:s12] =	ssyncset.done $0x0  }
0x106: {  	[sflag:s12] =	ssyncadd.s32 $0xFFFFE000  }
0x107: {  	_ =	swait.ge [sflag:s13], $0x2000  }
0x108: {  	[sflag:s13] =	ssyncset.done $0x0  }
0x109: {  	[sflag:s13] =	ssyncadd.s32 $0xFFFFE000  }
0x10a: {  	_ =	swait.ge [sflag:s14], $0x2000  }
0x10b: {  	[sflag:s14] =	ssyncset.done $0x0  }
0x10c: {  	[sflag:s14] =	ssyncadd.s32 $0xFFFFE000  }
0x10d: {  	_ =	swait.ge [sflag:s15], $0x2000  }
0x10e: {  	[sflag:s15] =	ssyncset.done $0x0  }
0x10f: {  	[sflag:s15] =	ssyncadd.s32 $0xFFFFE000  }
0x110: {  	_ =	swait.ge [sflag:s17], $0x2000  }
0x111: {  	[sflag:s17] =	ssyncset.done $0x0  }
0x112: {  	[sflag:s17] =	ssyncadd.s32 $0xFFFFE000  }
0x113: {  	_ =	swait.ge [sflag:s16], $0x2000  }
0x114: {  	[sflag:s16] =	ssyncset.done $0x0  }
0x115: {  	[sflag:s16] =	ssyncadd.s32 $0xFFFFE000  }
0x116: {  	_ =	swait.ge [sflag:s19], $0x2000  }
0x117: {  	[sflag:s19] =	ssyncset.done $0x0  }
0x118: {  	[sflag:s19] =	ssyncadd.s32 $0xFFFFE000  }
0x119: {  	_ =	swait.ge [sflag:s21], $0x2000  }
0x11a: {  	s30 =	rddreg [dreg:$0x11]  }
0x11b: {  	s31 =	rddreg [dreg:$0xf];
	s0 =	sadd.s32 $0x1, s30  }
0x11c: {  	p0 =	sne.s32 s0, s31  }
.Ltmp1:
0x11d: {  	_ = 	snop;
	(pc) =	sbr.rel @p0 .LBB2_1-.Ltmp1, $3  }
0x11e: {  	_ =	sdelay $0x1  }
0x11f: {  	[sflag:s21] =	ssyncset.done $0x0  }
0x120: {  	[sflag:s21] =	ssyncadd.s32 $0xFFFFE000  }
0x121: {  	_ =	sfence.sel $0x180000  }
0x122: {  	[bflag:$0x0] =	sbarrier.arrive $0xFFFF  }
0x123: {  	_ =	strace $0x90000047  }
0x124: {  	s0 =	stileid.u32;
	[bflag:$0x2] =	sbarrier.arrive $0xFFFF  }
0x125: {  	p0 =	sne.s32 s0, $0x0;
	s0 =	rddreg [dreg:$0x3]  }
0x126: {  	s0 =	sadd.s32 @!p0 $0x100000, s0  }
0x127: {  	[sflag:s0] =	ssyncadd.tile.s32 @!p0 $0x1;
	_ =	shalt  }
.Lfunc_end2:
_tile_overlayer_lowered:
.L_overlay_start_2:
0x128: {  	(tag) =	ssettag $0x2  }
0x129: {  	s0 =	rddreg [dreg:$0x0];
	s2 =	stileid.u32  }
0x12a: {  	s1 =	rddreg [dreg:$0x1];
	p0 =	sne.s32 s2, $0x0  }
0x12b: {  	s3 =	rddreg [dreg:$0x2];
	[bflag:$0x3] =	sbarrier.arrive $0xFFFF;
	s2 =	simm.s32 @!p0 $0x1C15  }
0x12c: {  	[timem:s3], [sflag:s2] =	dma.local @!p0 [hbm:s0], s1  }
0x12d: {  	s0 =	simm.s32 @!p0 $0x15  }
0x12e: {  	_ =	swait.ge @!p0 [sflag:s0], s1  }
0x12f: {  	s1 =	ssub.s32 @!p0 $0x0, s1;
	[sflag:s0] =	ssyncset.done @!p0 $0x0  }
0x130: {  	[sflag:s0] =	ssyncadd.s32 @!p0 s1  }
0x131: {  	[bflag:$0x3] =	sbarrier.arrive $0xFFFF  }
0x132: {  	_ =	shalt  }

</sc_bundles>
